<compile_context>
chip_gen: v7x
topology: tpu7x:2x2x1
jax: 0.10.2.dev20260603
libtpu: 0.0.44.dev20260713+nightly
codegen_flags: <defaults>
</compile_context>

<pallas_src>
import functools
import jax
import jax.numpy as jnp
from jax import lax
from jax.experimental import pallas as pl
from jax.experimental.pallas import tpu as pltpu
from jax.experimental.pallas import tpu_sc as plsc

_NUM_EXPERTS = 64
_TOKEN_BLOCK = 4096

_NC = 2
_NS = 16
_NW = _NC * _NS
_LANES = 16
_SC_CHUNK = 256


def _softmax_block(x_ref, w_ref, probs_ref):
    x = x_ref[...]
    w = w_ref[...]
    logits = jnp.dot(x, w, preferred_element_type=jnp.float32)
    m = jnp.max(logits, axis=-1, keepdims=True)
    e = jnp.exp(logits - m)
    probs_ref[...] = e / jnp.sum(e, axis=-1, keepdims=True)


def _tc_softmax(hidden_states, router_weight):
    tokens, d_model = hidden_states.shape
    num_experts = router_weight.shape[1]
    block = _TOKEN_BLOCK
    return pl.pallas_call(
        _softmax_block,
        grid=(tokens // block,),
        in_specs=[
            pl.BlockSpec((block, d_model), lambda i: (i, 0)),
            pl.BlockSpec((d_model, num_experts), lambda i: (0, 0)),
        ],
        out_specs=pl.BlockSpec((block, num_experts), lambda i: (i, 0)),
        out_shape=jax.ShapeDtypeStruct((tokens, num_experts), jnp.float32),
    )(hidden_states, router_weight)


def _sc_route_body(pin_hbm, pout_hbm, map_hbm, pin_v, pout_v, map_v):
    wid = lax.axis_index("s") * _NC + lax.axis_index("c")
    words_per_worker = pin_hbm.shape[0] // _NW
    base = wid * words_per_worker
    chunk_words = _SC_CHUNK * _NUM_EXPERTS
    lane = lax.iota(jnp.int32, _LANES)
    neg_inf = jnp.full((_LANES,), -jnp.inf, jnp.float32)

    def chunk_body(c, _):
        word0 = base + c * chunk_words
        pltpu.sync_copy(pin_hbm.at[pl.ds(word0, chunk_words)], pin_v)

        def group_body(g, _):
            row0 = (g * _LANES + lane) * _NUM_EXPERTS

            m1 = neg_inf
            m2 = neg_inf
            for e in range(_NUM_EXPERTS):
                v = plsc.load_gather(pin_v, [row0 + e])
                m2 = jnp.maximum(m2, jnp.minimum(m1, v))
                m1 = jnp.maximum(m1, v)

            one = jnp.ones((_LANES,), jnp.int32)
            zero_i = jnp.zeros((_LANES,), jnp.int32)
            for e in range(_NUM_EXPERTS):
                v = plsc.load_gather(pin_v, [row0 + e])
                keep = v >= m2
                plsc.store_scatter(pout_v, [row0 + e],
                                   jnp.where(keep, v, 0.0))
                plsc.store_scatter(map_v, [row0 + e],
                                   jnp.where(keep, one, zero_i))
            return 0

        lax.fori_loop(0, _SC_CHUNK // _LANES, group_body, 0)
        pltpu.sync_copy(pout_v, pout_hbm.at[pl.ds(word0, chunk_words)])
        pltpu.sync_copy(map_v, map_hbm.at[pl.ds(word0, chunk_words)])
        return 0

    lax.fori_loop(0, words_per_worker // chunk_words, chunk_body, 0)


def _sc_route(probs_flat):
    words = probs_flat.shape[0]
    chunk_words = _SC_CHUNK * _NUM_EXPERTS
    mesh = plsc.VectorSubcoreMesh(core_axis_name="c", subcore_axis_name="s")
    run = functools.partial(
        pl.kernel,
        out_type=[
            jax.ShapeDtypeStruct((words,), jnp.float32),
            jax.ShapeDtypeStruct((words,), jnp.int32),
        ],
        mesh=mesh,
        compiler_params=pltpu.CompilerParams(needs_layout_passes=False),
        scratch_types=[
            pltpu.VMEM((chunk_words,), jnp.float32),
            pltpu.VMEM((chunk_words,), jnp.float32),
            pltpu.VMEM((chunk_words,), jnp.int32),
        ],
    )(_sc_route_body)
    return run(probs_flat)


def kernel(hidden_states, router_weight):
    tokens, _ = hidden_states.shape
    num_experts = router_weight.shape[1]
    probs_full = _tc_softmax(hidden_states, router_weight)
    probs_flat, map_i32 = _sc_route(probs_full.reshape(-1))
    probs = probs_flat.reshape(tokens, num_experts)
    routing_map = map_i32.reshape(tokens, num_experts).astype(jnp.bool_)
    return probs, routing_map

# --- scband reference (transcript-rebuilt; emitter-appended) ---
"""Pipeline reference for scband-mo-erouter-6846177870125 (READ-ONLY COPY).

The authoritative reference and input builder live on the scoring server;
editing this copy changes nothing except your own understanding.
"""

import jax, jax.numpy as jnp
import numpy as np

NUM_EXPERTS = 64
TOP_K = 2
D_MODEL = 768
NUM_TOKENS = 32768


def setup_inputs(seed: int = 0) -> dict:
    key = jax.random.key(seed)
    k1, k2 = jax.random.split(key)
    hidden_states = jax.random.normal(k1, (NUM_TOKENS, D_MODEL), dtype=jnp.float32)
    # Router gating weight (learned param), Megatron initializes ~N(0, 0.02)
    router_weight = jax.random.normal(k2, (D_MODEL, NUM_EXPERTS), dtype=jnp.float32) * 0.02
    return {"hidden_states": hidden_states, "router_weight": router_weight}


def reference(hidden_states, router_weight):
    # TopKRouter: gating linear -> softmax over experts -> top-k selection.
    # Returns (probs, routing_map):
    #   probs:       float32 [tokens, num_experts], softmax probs zeroed outside top-k
    #   routing_map: bool    [tokens, num_experts], True where token routed to expert
    tokens = hidden_states.shape[0]
    logits = jnp.dot(hidden_states.astype(jnp.float32), router_weight)  # [tokens, E]
    probs_full = jax.nn.softmax(logits, axis=-1)
    top_vals, top_idx = jax.lax.top_k(probs_full, TOP_K)  # [tokens, k]
    rows = jnp.arange(tokens)[:, None]
    routing_map = jnp.zeros((tokens, NUM_EXPERTS), dtype=bool).at[rows, top_idx].set(True)
    probs = jnp.zeros((tokens, NUM_EXPERTS), dtype=jnp.float32).at[rows, top_idx].set(top_vals)
    return probs, routing_map

if __name__ == "__main__":
    import jax
    _d = setup_inputs()
    print(jax.jit(kernel)(*tuple(_d.values())))

</pallas_src>

<mosaic_0001>
#map = affine_map<(d0, d1) -> (0)>
module attributes {stable_mosaic.version = 14 : i64} {
  func.func @_sc_route_body(%arg0: i32, %arg1: i32, %arg2: memref<2097152xf32, #tpu.memory_space<hbm>>, %arg3: memref<2097152xf32, #tpu.memory_space<hbm>>, %arg4: memref<2097152xi32, #tpu.memory_space<hbm>>, %arg5: memref<16384xf32, #tpu.memory_space<vmem>>, %arg6: memref<16384xf32, #tpu.memory_space<vmem>>, %arg7: memref<16384xi32, #tpu.memory_space<vmem>>) attributes {dimension_semantics = [#tpu.dimension_semantics<core_parallel>, #tpu.dimension_semantics<subcore_parallel>], iteration_bounds = array<i64: 2, 16>, scalar_prefetch = 0 : i64, scratch_operands = 3 : i64, tpu.core_type = #tpu.core_type<sc_vector_subcore>, window_params = [{transform_indices = #map}, {transform_indices = #map}, {transform_indices = #map}]} {
    %mul3A = arith.constant 2 : i32
    %mul3A_0 = arith.muli %arg1, %mul3A : i32
    %add3A = arith.addi %mul3A_0, %arg0 : i32
    %mul3A_1 = arith.constant 65536 : i32
    %mul3A_2 = arith.muli %add3A, %mul3A_1 : i32
    %iota3A = tpu.iota {dimensions = array<i32: 0>} : vector<16xi32>
    %broadcast_in_dim3A = arith.constant 0xFF800000 : f32
    %broadcast_in_dim3A_3 = vector.broadcast %broadcast_in_dim3A : f32 to vector<16xf32>
    %scan3A = arith.constant 0 : i32
    %scan3A_4 = arith.constant 0 : i32
    %scan3A_5 = arith.constant 4 : i32
    %scan3A_6 = arith.addi %scan3A_4, %scan3A_5 : i32
    %scan3A_7 = arith.constant 1 : i32
    %scan3A_8 = scf.for %scan3A_10 = %scan3A_4 to %scan3A_6 step %scan3A_7 iter_args(%scan3A_11 = %scan3A) -> (i32)  : i32 {
      %mul3A_12 = arith.constant 16384 : i32
      %mul3A_13 = arith.muli %scan3A_10, %mul3A_12 : i32
      %add3A_14 = arith.addi %mul3A_2, %mul3A_13 : i32
      "tpu.region"() ({
        %run_scoped3A = tpu.sem_alloc : memref<!tpu.dma_semaphore, #tpu.memory_space<semaphore_mem>>
        %dma_start3A = tpu.memref_slice %arg2[%add3A_14] : memref<2097152xf32, #tpu.memory_space<hbm>> -> memref<16384xf32, #tpu.memory_space<hbm>>
        %dma_start3A_23 = tpu.memref_slice %arg2[%add3A_14] : memref<2097152xf32, #tpu.memory_space<hbm>> -> memref<16384xf32, #tpu.memory_space<hbm>>
        tpu.enqueue_dma source(%dma_start3A_23 : memref<16384xf32, #tpu.memory_space<hbm>>) target(%arg5 : memref<16384xf32, #tpu.memory_space<vmem>>) target_semaphore(%run_scoped3A : memref<!tpu.dma_semaphore, #tpu.memory_space<semaphore_mem>>)
        %dma_wait3A = tpu.memref_slice %arg2[%add3A_14] : memref<2097152xf32, #tpu.memory_space<hbm>> -> memref<16384xf32, #tpu.memory_space<hbm>>
        %dma_wait3A_24 = tpu.memref_slice %arg2[%add3A_14] : memref<2097152xf32, #tpu.memory_space<hbm>> -> memref<16384xf32, #tpu.memory_space<hbm>>
        tpu.wait_dma2 semaphore(%run_scoped3A : memref<!tpu.dma_semaphore, #tpu.memory_space<semaphore_mem>>) src(%dma_wait3A_24 : memref<16384xf32, #tpu.memory_space<hbm>>) dst(%arg5 : memref<16384xf32, #tpu.memory_space<vmem>>)
        tpu.yield
      }) : () -> ()
      %scan3A_15 = arith.constant 0 : i32
      %scan3A_16 = arith.constant 0 : i32
      %scan3A_17 = arith.constant 16 : i32
      %scan3A_18 = arith.addi %scan3A_16, %scan3A_17 : i32
      %scan3A_19 = arith.constant 1 : i32
      %scan3A_20 = scf.for %scan3A_23 = %scan3A_16 to %scan3A_18 step %scan3A_19 iter_args(%scan3A_24 = %scan3A_15) -> (i32)  : i32 {
        %mul3A_25 = arith.constant 16 : i32
        %mul3A_26 = arith.muli %scan3A_23, %mul3A_25 : i32
        %add3A_27 = vector.broadcast %mul3A_26 : i32 to vector<16xi32>
        %add3A_28 = arith.addi %add3A_27, %iota3A : vector<16xi32>
        %mul3A_29 = arith.constant 64 : i32
        %mul3A_30 = vector.broadcast %mul3A_29 : i32 to vector<16xi32>
        %mul3A_31 = arith.muli %add3A_28, %mul3A_30 : vector<16xi32>
        %add3A_32 = arith.constant 0 : i32
        %add3A_33 = vector.broadcast %add3A_32 : i32 to vector<16xi32>
        %add3A_34 = arith.addi %mul3A_31, %add3A_33 : vector<16xi32>
        %gather3A = tpu.vector_load_idx %arg5[%add3A_34] : memref<16384xf32, #tpu.memory_space<vmem>>[vector<16xi32>], vector<16xf32>,
        %min3A = arith.minimumf %broadcast_in_dim3A_3, %gather3A : vector<16xf32>
        %max3A = arith.maximumf %broadcast_in_dim3A_3, %min3A : vector<16xf32>
        %max3A_35 = arith.maximumf %broadcast_in_dim3A_3, %gather3A : vector<16xf32>
        %add3A_36 = arith.constant 1 : i32
        %add3A_37 = vector.broadcast %add3A_36 : i32 to vector<16xi32>
        %add3A_38 = arith.addi %mul3A_31, %add3A_37 : vector<16xi32>
        %gather3A_39 = tpu.vector_load_idx %arg5[%add3A_38] : memref<16384xf32, #tpu.memory_space<vmem>>[vector<16xi32>], vector<16xf32>,
        %min3A_40 = arith.minimumf %max3A_35, %gather3A_39 : vector<16xf32>
        %max3A_41 = arith.maximumf %max3A, %min3A_40 : vector<16xf32>
        %max3A_42 = arith.maximumf %max3A_35, %gather3A_39 : vector<16xf32>
        %add3A_43 = arith.constant 2 : i32
        %add3A_44 = vector.broadcast %add3A_43 : i32 to vector<16xi32>
        %add3A_45 = arith.addi %mul3A_31, %add3A_44 : vector<16xi32>
        %gather3A_46 = tpu.vector_load_idx %arg5[%add3A_45] : memref<16384xf32, #tpu.memory_space<vmem>>[vector<16xi32>], vector<16xf32>,
        %min3A_47 = arith.minimumf %max3A_42, %gather3A_46 : vector<16xf32>
        %max3A_48 = arith.maximumf %max3A_41, %min3A_47 : vector<16xf32>
        %max3A_49 = arith.maximumf %max3A_42, %gather3A_46 : vector<16xf32>
        %add3A_50 = arith.constant 3 : i32
        %add3A_51 = vector.broadcast %add3A_50 : i32 to vector<16xi32>
        %add3A_52 = arith.addi %mul3A_31, %add3A_51 : vector<16xi32>
        %gather3A_53 = tpu.vector_load_idx %arg5[%add3A_52] : memref<16384xf32, #tpu.memory_space<vmem>>[vector<16xi32>], vector<16xf32>,
        %min3A_54 = arith.minimumf %max3A_49, %gather3A_53 : vector<16xf32>
        %max3A_55 = arith.maximumf %max3A_48, %min3A_54 : vector<16xf32>
        %max3A_56 = arith.maximumf %max3A_49, %gather3A_53 : vector<16xf32>
        %add3A_57 = arith.constant 4 : i32
        %add3A_58 = vector.broadcast %add3A_57 : i32 to vector<16xi32>
        %add3A_59 = arith.addi %mul3A_31, %add3A_58 : vector<16xi32>
        %gather3A_60 = tpu.vector_load_idx %arg5[%add3A_59] : memref<16384xf32, #tpu.memory_space<vmem>>[vector<16xi32>], vector<16xf32>,
        %min3A_61 = arith.minimumf %max3A_56, %gather3A_60 : vector<16xf32>
        %max3A_62 = arith.maximumf %max3A_55, %min3A_61 : vector<16xf32>
        %max3A_63 = arith.maximumf %max3A_56, %gather3A_60 : vector<16xf32>
        %add3A_64 = arith.constant 5 : i32
        %add3A_65 = vector.broadcast %add3A_64 : i32 to vector<16xi32>
        %add3A_66 = arith.addi %mul3A_31, %add3A_65 : vector<16xi32>
        %gather3A_67 = tpu.vector_load_idx %arg5[%add3A_66] : memref<16384xf32, #tpu.memory_space<vmem>>[vector<16xi32>], vector<16xf32>,
        %min3A_68 = arith.minimumf %max3A_63, %gather3A_67 : vector<16xf32>
        %max3A_69 = arith.maximumf %max3A_62, %min3A_68 : vector<16xf32>
        %max3A_70 = arith.maximumf %max3A_63, %gather3A_67 : vector<16xf32>
        %add3A_71 = arith.constant 6 : i32
        %add3A_72 = vector.broadcast %add3A_71 : i32 to vector<16xi32>
        %add3A_73 = arith.addi %mul3A_31, %add3A_72 : vector<16xi32>
        %gather3A_74 = tpu.vector_load_idx %arg5[%add3A_73] : memref<16384xf32, #tpu.memory_space<vmem>>[vector<16xi32>], vector<16xf32>,
        %min3A_75 = arith.minimumf %max3A_70, %gather3A_74 : vector<16xf32>
        %max3A_76 = arith.maximumf %max3A_69, %min3A_75 : vector<16xf32>
        %max3A_77 = arith.maximumf %max3A_70, %gather3A_74 : vector<16xf32>
        %add3A_78 = arith.constant 7 : i32
        %add3A_79 = vector.broadcast %add3A_78 : i32 to vector<16xi32>
        %add3A_80 = arith.addi %mul3A_31, %add3A_79 : vector<16xi32>
        %gather3A_81 = tpu.vector_load_idx %arg5[%add3A_80] : memref<16384xf32, #tpu.memory_space<vmem>>[vector<16xi32>], vector<16xf32>,
        %min3A_82 = arith.minimumf %max3A_77, %gather3A_81 : vector<16xf32>
        %max3A_83 = arith.maximumf %max3A_76, %min3A_82 : vector<16xf32>
        %max3A_84 = arith.maximumf %max3A_77, %gather3A_81 : vector<16xf32>
        %add3A_85 = arith.constant 8 : i32
        %add3A_86 = vector.broadcast %add3A_85 : i32 to vector<16xi32>
        %add3A_87 = arith.addi %mul3A_31, %add3A_86 : vector<16xi32>
        %gather3A_88 = tpu.vector_load_idx %arg5[%add3A_87] : memref<16384xf32, #tpu.memory_space<vmem>>[vector<16xi32>], vector<16xf32>,
        %min3A_89 = arith.minimumf %max3A_84, %gather3A_88 : vector<16xf32>
        %max3A_90 = arith.maximumf %max3A_83, %min3A_89 : vector<16xf32>
        %max3A_91 = arith.maximumf %max3A_84, %gather3A_88 : vector<16xf32>
        %add3A_92 = arith.constant 9 : i32
        %add3A_93 = vector.broadcast %add3A_92 : i32 to vector<16xi32>
        %add3A_94 = arith.addi %mul3A_31, %add3A_93 : vector<16xi32>
        %gather3A_95 = tpu.vector_load_idx %arg5[%add3A_94] : memref<16384xf32, #tpu.memory_space<vmem>>[vector<16xi32>], vector<16xf32>,
        %min3A_96 = arith.minimumf %max3A_91, %gather3A_95 : vector<16xf32>
        %max3A_97 = arith.maximumf %max3A_90, %min3A_96 : vector<16xf32>
        %max3A_98 = arith.maximumf %max3A_91, %gather3A_95 : vector<16xf32>
        %add3A_99 = arith.constant 10 : i32
        %add3A_100 = vector.broadcast %add3A_99 : i32 to vector<16xi32>
        %add3A_101 = arith.addi %mul3A_31, %add3A_100 : vector<16xi32>
        %gather3A_102 = tpu.vector_load_idx %arg5[%add3A_101] : memref<16384xf32, #tpu.memory_space<vmem>>[vector<16xi32>], vector<16xf32>,
        %min3A_103 = arith.minimumf %max3A_98, %gather3A_102 : vector<16xf32>
        %max3A_104 = arith.maximumf %max3A_97, %min3A_103 : vector<16xf32>
        %max3A_105 = arith.maximumf %max3A_98, %gather3A_102 : vector<16xf32>
        %add3A_106 = arith.constant 11 : i32
        %add3A_107 = vector.broadcast %add3A_106 : i32 to vector<16xi32>
        %add3A_108 = arith.addi %mul3A_31, %add3A_107 : vector<16xi32>
        %gather3A_109 = tpu.vector_load_idx %arg5[%add3A_108] : memref<16384xf32, #tpu.memory_space<vmem>>[vector<16xi32>], vector<16xf32>,
        %min3A_110 = arith.minimumf %max3A_105, %gather3A_109 : vector<16xf32>
        %max3A_111 = arith.maximumf %max3A_104, %min3A_110 : vector<16xf32>
        %max3A_112 = arith.maximumf %max3A_105, %gather3A_109 : vector<16xf32>
        %add3A_113 = arith.constant 12 : i32
        %add3A_114 = vector.broadcast %add3A_113 : i32 to vector<16xi32>
        %add3A_115 = arith.addi %mul3A_31, %add3A_114 : vector<16xi32>
        %gather3A_116 = tpu.vector_load_idx %arg5[%add3A_115] : memref<16384xf32, #tpu.memory_space<vmem>>[vector<16xi32>], vector<16xf32>,
        %min3A_117 = arith.minimumf %max3A_112, %gather3A_116 : vector<16xf32>
        %max3A_118 = arith.maximumf %max3A_111, %min3A_117 : vector<16xf32>
        %max3A_119 = arith.maximumf %max3A_112, %gather3A_116 : vector<16xf32>
        %add3A_120 = arith.constant 13 : i32
        %add3A_121 = vector.broadcast %add3A_120 : i32 to vector<16xi32>
        %add3A_122 = arith.addi %mul3A_31, %add3A_121 : vector<16xi32>
        %gather3A_123 = tpu.vector_load_idx %arg5[%add3A_122] : memref<16384xf32, #tpu.memory_space<vmem>>[vector<16xi32>], vector<16xf32>,
        %min3A_124 = arith.minimumf %max3A_119, %gather3A_123 : vector<16xf32>
        %max3A_125 = arith.maximumf %max3A_118, %min3A_124 : vector<16xf32>
        %max3A_126 = arith.maximumf %max3A_119, %gather3A_123 : vector<16xf32>
        %add3A_127 = arith.constant 14 : i32
        %add3A_128 = vector.broadcast %add3A_127 : i32 to vector<16xi32>
        %add3A_129 = arith.addi %mul3A_31, %add3A_128 : vector<16xi32>
        %gather3A_130 = tpu.vector_load_idx %arg5[%add3A_129] : memref<16384xf32, #tpu.memory_space<vmem>>[vector<16xi32>], vector<16xf32>,
        %min3A_131 = arith.minimumf %max3A_126, %gather3A_130 : vector<16xf32>
        %max3A_132 = arith.maximumf %max3A_125, %min3A_131 : vector<16xf32>
        %max3A_133 = arith.maximumf %max3A_126, %gather3A_130 : vector<16xf32>
        %add3A_134 = arith.constant 15 : i32
        %add3A_135 = vector.broadcast %add3A_134 : i32 to vector<16xi32>
        %add3A_136 = arith.addi %mul3A_31, %add3A_135 : vector<16xi32>
        %gather3A_137 = tpu.vector_load_idx %arg5[%add3A_136] : memref<16384xf32, #tpu.memory_space<vmem>>[vector<16xi32>], vector<16xf32>,
        %min3A_138 = arith.minimumf %max3A_133, %gather3A_137 : vector<16xf32>
        %max3A_139 = arith.maximumf %max3A_132, %min3A_138 : vector<16xf32>
        %max3A_140 = arith.maximumf %max3A_133, %gather3A_137 : vector<16xf32>
        %add3A_141 = arith.constant 16 : i32
        %add3A_142 = vector.broadcast %add3A_141 : i32 to vector<16xi32>
        %add3A_143 = arith.addi %mul3A_31, %add3A_142 : vector<16xi32>
        %gather3A_144 = tpu.vector_load_idx %arg5[%add3A_143] : memref<16384xf32, #tpu.memory_space<vmem>>[vector<16xi32>], vector<16xf32>,
        %min3A_145 = arith.minimumf %max3A_140, %gather3A_144 : vector<16xf32>
        %max3A_146 = arith.maximumf %max3A_139, %min3A_145 : vector<16xf32>
        %max3A_147 = arith.maximumf %max3A_140, %gather3A_144 : vector<16xf32>
        %add3A_148 = arith.constant 17 : i32
        %add3A_149 = vector.broadcast %add3A_148 : i32 to vector<16xi32>
        %add3A_150 = arith.addi %mul3A_31, %add3A_149 : vector<16xi32>
        %gather3A_151 = tpu.vector_load_idx %arg5[%add3A_150] : memref<16384xf32, #tpu.memory_space<vmem>>[vector<16xi32>], vector<16xf32>,
        %min3A_152 = arith.minimumf %max3A_147, %gather3A_151 : vector<16xf32>
        %max3A_153 = arith.maximumf %max3A_146, %min3A_152 : vector<16xf32>
        %max3A_154 = arith.maximumf %max3A_147, %gather3A_151 : vector<16xf32>
        %add3A_155 = arith.constant 18 : i32
        %add3A_156 = vector.broadcast %add3A_155 : i32 to vector<16xi32>
        %add3A_157 = arith.addi %mul3A_31, %add3A_156 : vector<16xi32>
        %gather3A_158 = tpu.vector_load_idx %arg5[%add3A_157] : memref<16384xf32, #tpu.memory_space<vmem>>[vector<16xi32>], vector<16xf32>,
        %min3A_159 = arith.minimumf %max3A_154, %gather3A_158 : vector<16xf32>
        %max3A_160 = arith.maximumf %max3A_153, %min3A_159 : vector<16xf32>
        %max3A_161 = arith.maximumf %max3A_154, %gather3A_158 : vector<16xf32>
        %add3A_162 = arith.constant 19 : i32
        %add3A_163 = vector.broadcast %add3A_162 : i32 to vector<16xi32>
        %add3A_164 = arith.addi %mul3A_31, %add3A_163 : vector<16xi32>
        %gather3A_165 = tpu.vector_load_idx %arg5[%add3A_164] : memref<16384xf32, #tpu.memory_space<vmem>>[vector<16xi32>], vector<16xf32>,
        %min3A_166 = arith.minimumf %max3A_161, %gather3A_165 : vector<16xf32>
        %max3A_167 = arith.maximumf %max3A_160, %min3A_166 : vector<16xf32>
        %max3A_168 = arith.maximumf %max3A_161, %gather3A_165 : vector<16xf32>
        %add3A_169 = arith.constant 20 : i32
        %add3A_170 = vector.broadcast %add3A_169 : i32 to vector<16xi32>
        %add3A_171 = arith.addi %mul3A_31, %add3A_170 : vector<16xi32>
        %gather3A_172 = tpu.vector_load_idx %arg5[%add3A_171] : memref<16384xf32, #tpu.memory_space<vmem>>[vector<16xi32>], vector<16xf32>,
        %min3A_173 = arith.minimumf %max3A_168, %gather3A_172 : vector<16xf32>
        %max3A_174 = arith.maximumf %max3A_167, %min3A_173 : vector<16xf32>
        %max3A_175 = arith.maximumf %max3A_168, %gather3A_172 : vector<16xf32>
        %add3A_176 = arith.constant 21 : i32
        %add3A_177 = vector.broadcast %add3A_176 : i32 to vector<16xi32>
        %add3A_178 = arith.addi %mul3A_31, %add3A_177 : vector<16xi32>
        %gather3A_179 = tpu.vector_load_idx %arg5[%add3A_178] : memref<16384xf32, #tpu.memory_space<vmem>>[vector<16xi32>], vector<16xf32>,
        %min3A_180 = arith.minimumf %max3A_175, %gather3A_179 : vector<16xf32>
        %max3A_181 = arith.maximumf %max3A_174, %min3A_180 : vector<16xf32>
        %max3A_182 = arith.maximumf %max3A_175, %gather3A_179 : vector<16xf32>
        %add3A_183 = arith.constant 22 : i32
        %add3A_184 = vector.broadcast %add3A_183 : i32 to vector<16xi32>
        %add3A_185 = arith.addi %mul3A_31, %add3A_184 : vector<16xi32>
        %gather3A_186 = tpu.vector_load_idx %arg5[%add3A_185] : memref<16384xf32, #tpu.memory_space<vmem>>[vector<16xi32>], vector<16xf32>,
        %min3A_187 = arith.minimumf %max3A_182, %gather3A_186 : vector<16xf32>
        %max3A_188 = arith.maximumf %max3A_181, %min3A_187 : vector<16xf32>
        %max3A_189 = arith.maximumf %max3A_182, %gather3A_186 : vector<16xf32>
        %add3A_190 = arith.constant 23 : i32
        %add3A_191 = vector.broadcast %add3A_190 : i32 to vector<16xi32>
        %add3A_192 = arith.addi %mul3A_31, %add3A_191 : vector<16xi32>
        %gather3A_193 = tpu.vector_load_idx %arg5[%add3A_192] : memref<16384xf32, #tpu.memory_space<vmem>>[vector<16xi32>], vector<16xf32>,
        %min3A_194 = arith.minimumf %max3A_189, %gather3A_193 : vector<16xf32>
        %max3A_195 = arith.maximumf %max3A_188, %min3A_194 : vector<16xf32>
        %max3A_196 = arith.maximumf %max3A_189, %gather3A_193 : vector<16xf32>
        %add3A_197 = arith.constant 24 : i32
        %add3A_198 = vector.broadcast %add3A_197 : i32 to vector<16xi32>
        %add3A_199 = arith.addi %mul3A_31, %add3A_198 : vector<16xi32>
        %gather3A_200 = tpu.vector_load_idx %arg5[%add3A_199] : memref<16384xf32, #tpu.memory_space<vmem>>[vector<16xi32>], vector<16xf32>,
        %min3A_201 = arith.minimumf %max3A_196, %gather3A_200 : vector<16xf32>
        %max3A_202 = arith.maximumf %max3A_195, %min3A_201 : vector<16xf32>
        %max3A_203 = arith.maximumf %max3A_196, %gather3A_200 : vector<16xf32>
        %add3A_204 = arith.constant 25 : i32
        %add3A_205 = vector.broadcast %add3A_204 : i32 to vector<16xi32>
        %add3A_206 = arith.addi %mul3A_31, %add3A_205 : vector<16xi32>
        %gather3A_207 = tpu.vector_load_idx %arg5[%add3A_206] : memref<16384xf32, #tpu.memory_space<vmem>>[vector<16xi32>], vector<16xf32>,
        %min3A_208 = arith.minimumf %max3A_203, %gather3A_207 : vector<16xf32>
        %max3A_209 = arith.maximumf %max3A_202, %min3A_208 : vector<16xf32>
        %max3A_210 = arith.maximumf %max3A_203, %gather3A_207 : vector<16xf32>
        %add3A_211 = arith.constant 26 : i32
        %add3A_212 = vector.broadcast %add3A_211 : i32 to vector<16xi32>
        %add3A_213 = arith.addi %mul3A_31, %add3A_212 : vector<16xi32>
        %gather3A_214 = tpu.vector_load_idx %arg5[%add3A_213] : memref<16384xf32, #tpu.memory_space<vmem>>[vector<16xi32>], vector<16xf32>,
        %min3A_215 = arith.minimumf %max3A_210, %gather3A_214 : vector<16xf32>
        %max3A_216 = arith.maximumf %max3A_209, %min3A_215 : vector<16xf32>
        %max3A_217 = arith.maximumf %max3A_210, %gather3A_214 : vector<16xf32>
        %add3A_218 = arith.constant 27 : i32
        %add3A_219 = vector.broadcast %add3A_218 : i32 to vector<16xi32>
        %add3A_220 = arith.addi %mul3A_31, %add3A_219 : vector<16xi32>
        %gather3A_221 = tpu.vector_load_idx %arg5[%add3A_220] : memref<16384xf32, #tpu.memory_space<vmem>>[vector<16xi32>], vector<16xf32>,
        %min3A_222 = arith.minimumf %max3A_217, %gather3A_221 : vector<16xf32>
        %max3A_223 = arith.maximumf %max3A_216, %min3A_222 : vector<16xf32>
        %max3A_224 = arith.maximumf %max3A_217, %gather3A_221 : vector<16xf32>
        %add3A_225 = arith.constant 28 : i32
        %add3A_226 = vector.broadcast %add3A_225 : i32 to vector<16xi32>
        %add3A_227 = arith.addi %mul3A_31, %add3A_226 : vector<16xi32>
        %gather3A_228 = tpu.vector_load_idx %arg5[%add3A_227] : memref<16384xf32, #tpu.memory_space<vmem>>[vector<16xi32>], vector<16xf32>,
        %min3A_229 = arith.minimumf %max3A_224, %gather3A_228 : vector<16xf32>
        %max3A_230 = arith.maximumf %max3A_223, %min3A_229 : vector<16xf32>
        %max3A_231 = arith.maximumf %max3A_224, %gather3A_228 : vector<16xf32>
        %add3A_232 = arith.constant 29 : i32
        %add3A_233 = vector.broadcast %add3A_232 : i32 to vector<16xi32>
        %add3A_234 = arith.addi %mul3A_31, %add3A_233 : vector<16xi32>
        %gather3A_235 = tpu.vector_load_idx %arg5[%add3A_234] : memref<16384xf32, #tpu.memory_space<vmem>>[vector<16xi32>], vector<16xf32>,
        %min3A_236 = arith.minimumf %max3A_231, %gather3A_235 : vector<16xf32>
        %max3A_237 = arith.maximumf %max3A_230, %min3A_236 : vector<16xf32>
        %max3A_238 = arith.maximumf %max3A_231, %gather3A_235 : vector<16xf32>
        %add3A_239 = arith.constant 30 : i32
        %add3A_240 = vector.broadcast %add3A_239 : i32 to vector<16xi32>
        %add3A_241 = arith.addi %mul3A_31, %add3A_240 : vector<16xi32>
        %gather3A_242 = tpu.vector_load_idx %arg5[%add3A_241] : memref<16384xf32, #tpu.memory_space<vmem>>[vector<16xi32>], vector<16xf32>,
        %min3A_243 = arith.minimumf %max3A_238, %gather3A_242 : vector<16xf32>
        %max3A_244 = arith.maximumf %max3A_237, %min3A_243 : vector<16xf32>
        %max3A_245 = arith.maximumf %max3A_238, %gather3A_242 : vector<16xf32>
        %add3A_246 = arith.constant 31 : i32
        %add3A_247 = vector.broadcast %add3A_246 : i32 to vector<16xi32>
        %add3A_248 = arith.addi %mul3A_31, %add3A_247 : vector<16xi32>
        %gather3A_249 = tpu.vector_load_idx %arg5[%add3A_248] : memref<16384xf32, #tpu.memory_space<vmem>>[vector<16xi32>], vector<16xf32>,
        %min3A_250 = arith.minimumf %max3A_245, %gather3A_249 : vector<16xf32>
        %max3A_251 = arith.maximumf %max3A_244, %min3A_250 : vector<16xf32>
        %max3A_252 = arith.maximumf %max3A_245, %gather3A_249 : vector<16xf32>
        %add3A_253 = arith.constant 32 : i32
        %add3A_254 = vector.broadcast %add3A_253 : i32 to vector<16xi32>
        %add3A_255 = arith.addi %mul3A_31, %add3A_254 : vector<16xi32>
        %gather3A_256 = tpu.vector_load_idx %arg5[%add3A_255] : memref<16384xf32, #tpu.memory_space<vmem>>[vector<16xi32>], vector<16xf32>,
        %min3A_257 = arith.minimumf %max3A_252, %gather3A_256 : vector<16xf32>
        %max3A_258 = arith.maximumf %max3A_251, %min3A_257 : vector<16xf32>
        %max3A_259 = arith.maximumf %max3A_252, %gather3A_256 : vector<16xf32>
        %add3A_260 = arith.constant 33 : i32
        %add3A_261 = vector.broadcast %add3A_260 : i32 to vector<16xi32>
        %add3A_262 = arith.addi %mul3A_31, %add3A_261 : vector<16xi32>
        %gather3A_263 = tpu.vector_load_idx %arg5[%add3A_262] : memref<16384xf32, #tpu.memory_space<vmem>>[vector<16xi32>], vector<16xf32>,
        %min3A_264 = arith.minimumf %max3A_259, %gather3A_263 : vector<16xf32>
        %max3A_265 = arith.maximumf %max3A_258, %min3A_264 : vector<16xf32>
        %max3A_266 = arith.maximumf %max3A_259, %gather3A_263 : vector<16xf32>
        %add3A_267 = arith.constant 34 : i32
        %add3A_268 = vector.broadcast %add3A_267 : i32 to vector<16xi32>
        %add3A_269 = arith.addi %mul3A_31, %add3A_268 : vector<16xi32>
        %gather3A_270 = tpu.vector_load_idx %arg5[%add3A_269] : memref<16384xf32, #tpu.memory_space<vmem>>[vector<16xi32>], vector<16xf32>,
        %min3A_271 = arith.minimumf %max3A_266, %gather3A_270 : vector<16xf32>
        %max3A_272 = arith.maximumf %max3A_265, %min3A_271 : vector<16xf32>
        %max3A_273 = arith.maximumf %max3A_266, %gather3A_270 : vector<16xf32>
        %add3A_274 = arith.constant 35 : i32
        %add3A_275 = vector.broadcast %add3A_274 : i32 to vector<16xi32>
        %add3A_276 = arith.addi %mul3A_31, %add3A_275 : vector<16xi32>
        %gather3A_277 = tpu.vector_load_idx %arg5[%add3A_276] : memref<16384xf32, #tpu.memory_space<vmem>>[vector<16xi32>], vector<16xf32>,
        %min3A_278 = arith.minimumf %max3A_273, %gather3A_277 : vector<16xf32>
        %max3A_279 = arith.maximumf %max3A_272, %min3A_278 : vector<16xf32>
        %max3A_280 = arith.maximumf %max3A_273, %gather3A_277 : vector<16xf32>
        %add3A_281 = arith.constant 36 : i32
        %add3A_282 = vector.broadcast %add3A_281 : i32 to vector<16xi32>
        %add3A_283 = arith.addi %mul3A_31, %add3A_282 : vector<16xi32>
        %gather3A_284 = tpu.vector_load_idx %arg5[%add3A_283] : memref<16384xf32, #tpu.memory_space<vmem>>[vector<16xi32>], vector<16xf32>,
        %min3A_285 = arith.minimumf %max3A_280, %gather3A_284 : vector<16xf32>
        %max3A_286 = arith.maximumf %max3A_279, %min3A_285 : vector<16xf32>
        %max3A_287 = arith.maximumf %max3A_280, %gather3A_284 : vector<16xf32>
        %add3A_288 = arith.constant 37 : i32
        %add3A_289 = vector.broadcast %add3A_288 : i32 to vector<16xi32>
        %add3A_290 = arith.addi %mul3A_31, %add3A_289 : vector<16xi32>
        %gather3A_291 = tpu.vector_load_idx %arg5[%add3A_290] : memref<16384xf32, #tpu.memory_space<vmem>>[vector<16xi32>], vector<16xf32>,
        %min3A_292 = arith.minimumf %max3A_287, %gather3A_291 : vector<16xf32>
        %max3A_293 = arith.maximumf %max3A_286, %min3A_292 : vector<16xf32>
        %max3A_294 = arith.maximumf %max3A_287, %gather3A_291 : vector<16xf32>
        %add3A_295 = arith.constant 38 : i32
        %add3A_296 = vector.broadcast %add3A_295 : i32 to vector<16xi32>
        %add3A_297 = arith.addi %mul3A_31, %add3A_296 : vector<16xi32>
        %gather3A_298 = tpu.vector_load_idx %arg5[%add3A_297] : memref<16384xf32, #tpu.memory_space<vmem>>[vector<16xi32>], vector<16xf32>,
        %min3A_299 = arith.minimumf %max3A_294, %gather3A_298 : vector<16xf32>
        %max3A_300 = arith.maximumf %max3A_293, %min3A_299 : vector<16xf32>
        %max3A_301 = arith.maximumf %max3A_294, %gather3A_298 : vector<16xf32>
        %add3A_302 = arith.constant 39 : i32
        %add3A_303 = vector.broadcast %add3A_302 : i32 to vector<16xi32>
        %add3A_304 = arith.addi %mul3A_31, %add3A_303 : vector<16xi32>
        %gather3A_305 = tpu.vector_load_idx %arg5[%add3A_304] : memref<16384xf32, #tpu.memory_space<vmem>>[vector<16xi32>], vector<16xf32>,
        %min3A_306 = arith.minimumf %max3A_301, %gather3A_305 : vector<16xf32>
        %max3A_307 = arith.maximumf %max3A_300, %min3A_306 : vector<16xf32>
        %max3A_308 = arith.maximumf %max3A_301, %gather3A_305 : vector<16xf32>
        %add3A_309 = arith.constant 40 : i32
        %add3A_310 = vector.broadcast %add3A_309 : i32 to vector<16xi32>
        %add3A_311 = arith.addi %mul3A_31, %add3A_310 : vector<16xi32>
        %gather3A_312 = tpu.vector_load_idx %arg5[%add3A_311] : memref<16384xf32, #tpu.memory_space<vmem>>[vector<16xi32>], vector<16xf32>,
        %min3A_313 = arith.minimumf %max3A_308, %gather3A_312 : vector<16xf32>
        %max3A_314 = arith.maximumf %max3A_307, %min3A_313 : vector<16xf32>
        %max3A_315 = arith.maximumf %max3A_308, %gather3A_312 : vector<16xf32>
        %add3A_316 = arith.constant 41 : i32
        %add3A_317 = vector.broadcast %add3A_316 : i32 to vector<16xi32>
        %add3A_318 = arith.addi %mul3A_31, %add3A_317 : vector<16xi32>
        %gather3A_319 = tpu.vector_load_idx %arg5[%add3A_318] : memref<16384xf32, #tpu.memory_space<vmem>>[vector<16xi32>], vector<16xf32>,
        %min3A_320 = arith.minimumf %max3A_315, %gather3A_319 : vector<16xf32>
        %max3A_321 = arith.maximumf %max3A_314, %min3A_320 : vector<16xf32>
        %max3A_322 = arith.maximumf %max3A_315, %gather3A_319 : vector<16xf32>
        %add3A_323 = arith.constant 42 : i32
        %add3A_324 = vector.broadcast %add3A_323 : i32 to vector<16xi32>
        %add3A_325 = arith.addi %mul3A_31, %add3A_324 : vector<16xi32>
        %gather3A_326 = tpu.vector_load_idx %arg5[%add3A_325] : memref<16384xf32, #tpu.memory_space<vmem>>[vector<16xi32>], vector<16xf32>,
        %min3A_327 = arith.minimumf %max3A_322, %gather3A_326 : vector<16xf32>
        %max3A_328 = arith.maximumf %max3A_321, %min3A_327 : vector<16xf32>
        %max3A_329 = arith.maximumf %max3A_322, %gather3A_326 : vector<16xf32>
        %add3A_330 = arith.constant 43 : i32
        %add3A_331 = vector.broadcast %add3A_330 : i32 to vector<16xi32>
        %add3A_332 = arith.addi %mul3A_31, %add3A_331 : vector<16xi32>
        %gather3A_333 = tpu.vector_load_idx %arg5[%add3A_332] : memref<16384xf32, #tpu.memory_space<vmem>>[vector<16xi32>], vector<16xf32>,
        %min3A_334 = arith.minimumf %max3A_329, %gather3A_333 : vector<16xf32>
        %max3A_335 = arith.maximumf %max3A_328, %min3A_334 : vector<16xf32>
        %max3A_336 = arith.maximumf %max3A_329, %gather3A_333 : vector<16xf32>
        %add3A_337 = arith.constant 44 : i32
        %add3A_338 = vector.broadcast %add3A_337 : i32 to vector<16xi32>
        %add3A_339 = arith.addi %mul3A_31, %add3A_338 : vector<16xi32>
        %gather3A_340 = tpu.vector_load_idx %arg5[%add3A_339] : memref<16384xf32, #tpu.memory_space<vmem>>[vector<16xi32>], vector<16xf32>,
        %min3A_341 = arith.minimumf %max3A_336, %gather3A_340 : vector<16xf32>
        %max3A_342 = arith.maximumf %max3A_335, %min3A_341 : vector<16xf32>
        %max3A_343 = arith.maximumf %max3A_336, %gather3A_340 : vector<16xf32>
        %add3A_344 = arith.constant 45 : i32
        %add3A_345 = vector.broadcast %add3A_344 : i32 to vector<16xi32>
        %add3A_346 = arith.addi %mul3A_31, %add3A_345 : vector<16xi32>
        %gather3A_347 = tpu.vector_load_idx %arg5[%add3A_346] : memref<16384xf32, #tpu.memory_space<vmem>>[vector<16xi32>], vector<16xf32>,
        %min3A_348 = arith.minimumf %max3A_343, %gather3A_347 : vector<16xf32>
        %max3A_349 = arith.maximumf %max3A_342, %min3A_348 : vector<16xf32>
        %max3A_350 = arith.maximumf %max3A_343, %gather3A_347 : vector<16xf32>
        %add3A_351 = arith.constant 46 : i32
        %add3A_352 = vector.broadcast %add3A_351 : i32 to vector<16xi32>
        %add3A_353 = arith.addi %mul3A_31, %add3A_352 : vector<16xi32>
        %gather3A_354 = tpu.vector_load_idx %arg5[%add3A_353] : memref<16384xf32, #tpu.memory_space<vmem>>[vector<16xi32>], vector<16xf32>,
        %min3A_355 = arith.minimumf %max3A_350, %gather3A_354 : vector<16xf32>
        %max3A_356 = arith.maximumf %max3A_349, %min3A_355 : vector<16xf32>
        %max3A_357 = arith.maximumf %max3A_350, %gather3A_354 : vector<16xf32>
        %add3A_358 = arith.constant 47 : i32
        %add3A_359 = vector.broadcast %add3A_358 : i32 to vector<16xi32>
        %add3A_360 = arith.addi %mul3A_31, %add3A_359 : vector<16xi32>
        %gather3A_361 = tpu.vector_load_idx %arg5[%add3A_360] : memref<16384xf32, #tpu.memory_space<vmem>>[vector<16xi32>], vector<16xf32>,
        %min3A_362 = arith.minimumf %max3A_357, %gather3A_361 : vector<16xf32>
        %max3A_363 = arith.maximumf %max3A_356, %min3A_362 : vector<16xf32>
        %max3A_364 = arith.maximumf %max3A_357, %gather3A_361 : vector<16xf32>
        %add3A_365 = arith.constant 48 : i32
        %add3A_366 = vector.broadcast %add3A_365 : i32 to vector<16xi32>
        %add3A_367 = arith.addi %mul3A_31, %add3A_366 : vector<16xi32>
        %gather3A_368 = tpu.vector_load_idx %arg5[%add3A_367] : memref<16384xf32, #tpu.memory_space<vmem>>[vector<16xi32>], vector<16xf32>,
        %min3A_369 = arith.minimumf %max3A_364, %gather3A_368 : vector<16xf32>
        %max3A_370 = arith.maximumf %max3A_363, %min3A_369 : vector<16xf32>
        %max3A_371 = arith.maximumf %max3A_364, %gather3A_368 : vector<16xf32>
        %add3A_372 = arith.constant 49 : i32
        %add3A_373 = vector.broadcast %add3A_372 : i32 to vector<16xi32>
        %add3A_374 = arith.addi %mul3A_31, %add3A_373 : vector<16xi32>
        %gather3A_375 = tpu.vector_load_idx %arg5[%add3A_374] : memref<16384xf32, #tpu.memory_space<vmem>>[vector<16xi32>], vector<16xf32>,
        %min3A_376 = arith.minimumf %max3A_371, %gather3A_375 : vector<16xf32>
        %max3A_377 = arith.maximumf %max3A_370, %min3A_376 : vector<16xf32>
        %max3A_378 = arith.maximumf %max3A_371, %gather3A_375 : vector<16xf32>
        %add3A_379 = arith.constant 50 : i32
        %add3A_380 = vector.broadcast %add3A_379 : i32 to vector<16xi32>
        %add3A_381 = arith.addi %mul3A_31, %add3A_380 : vector<16xi32>
        %gather3A_382 = tpu.vector_load_idx %arg5[%add3A_381] : memref<16384xf32, #tpu.memory_space<vmem>>[vector<16xi32>], vector<16xf32>,
        %min3A_383 = arith.minimumf %max3A_378, %gather3A_382 : vector<16xf32>
        %max3A_384 = arith.maximumf %max3A_377, %min3A_383 : vector<16xf32>
        %max3A_385 = arith.maximumf %max3A_378, %gather3A_382 : vector<16xf32>
        %add3A_386 = arith.constant 51 : i32
        %add3A_387 = vector.broadcast %add3A_386 : i32 to vector<16xi32>
        %add3A_388 = arith.addi %mul3A_31, %add3A_387 : vector<16xi32>
        %gather3A_389 = tpu.vector_load_idx %arg5[%add3A_388] : memref<16384xf32, #tpu.memory_space<vmem>>[vector<16xi32>], vector<16xf32>,
        %min3A_390 = arith.minimumf %max3A_385, %gather3A_389 : vector<16xf32>
        %max3A_391 = arith.maximumf %max3A_384, %min3A_390 : vector<16xf32>
        %max3A_392 = arith.maximumf %max3A_385, %gather3A_389 : vector<16xf32>
        %add3A_393 = arith.constant 52 : i32
        %add3A_394 = vector.broadcast %add3A_393 : i32 to vector<16xi32>
        %add3A_395 = arith.addi %mul3A_31, %add3A_394 : vector<16xi32>
        %gather3A_396 = tpu.vector_load_idx %arg5[%add3A_395] : memref<16384xf32, #tpu.memory_space<vmem>>[vector<16xi32>], vector<16xf32>,
        %min3A_397 = arith.minimumf %max3A_392, %gather3A_396 : vector<16xf32>
        %max3A_398 = arith.maximumf %max3A_391, %min3A_397 : vector<16xf32>
        %max3A_399 = arith.maximumf %max3A_392, %gather3A_396 : vector<16xf32>
        %add3A_400 = arith.constant 53 : i32
        %add3A_401 = vector.broadcast %add3A_400 : i32 to vector<16xi32>
        %add3A_402 = arith.addi %mul3A_31, %add3A_401 : vector<16xi32>
        %gather3A_403 = tpu.vector_load_idx %arg5[%add3A_402] : memref<16384xf32, #tpu.memory_space<vmem>>[vector<16xi32>], vector<16xf32>,
        %min3A_404 = arith.minimumf %max3A_399, %gather3A_403 : vector<16xf32>
        %max3A_405 = arith.maximumf %max3A_398, %min3A_404 : vector<16xf32>
        %max3A_406 = arith.maximumf %max3A_399, %gather3A_403 : vector<16xf32>
        %add3A_407 = arith.constant 54 : i32
        %add3A_408 = vector.broadcast %add3A_407 : i32 to vector<16xi32>
        %add3A_409 = arith.addi %mul3A_31, %add3A_408 : vector<16xi32>
        %gather3A_410 = tpu.vector_load_idx %arg5[%add3A_409] : memref<16384xf32, #tpu.memory_space<vmem>>[vector<16xi32>], vector<16xf32>,
        %min3A_411 = arith.minimumf %max3A_406, %gather3A_410 : vector<16xf32>
        %max3A_412 = arith.maximumf %max3A_405, %min3A_411 : vector<16xf32>
        %max3A_413 = arith.maximumf %max3A_406, %gather3A_410 : vector<16xf32>
        %add3A_414 = arith.constant 55 : i32
        %add3A_415 = vector.broadcast %add3A_414 : i32 to vector<16xi32>
        %add3A_416 = arith.addi %mul3A_31, %add3A_415 : vector<16xi32>
        %gather3A_417 = tpu.vector_load_idx %arg5[%add3A_416] : memref<16384xf32, #tpu.memory_space<vmem>>[vector<16xi32>], vector<16xf32>,
        %min3A_418 = arith.minimumf %max3A_413, %gather3A_417 : vector<16xf32>
        %max3A_419 = arith.maximumf %max3A_412, %min3A_418 : vector<16xf32>
        %max3A_420 = arith.maximumf %max3A_413, %gather3A_417 : vector<16xf32>
        %add3A_421 = arith.constant 56 : i32
        %add3A_422 = vector.broadcast %add3A_421 : i32 to vector<16xi32>
        %add3A_423 = arith.addi %mul3A_31, %add3A_422 : vector<16xi32>
        %gather3A_424 = tpu.vector_load_idx %arg5[%add3A_423] : memref<16384xf32, #tpu.memory_space<vmem>>[vector<16xi32>], vector<16xf32>,
        %min3A_425 = arith.minimumf %max3A_420, %gather3A_424 : vector<16xf32>
        %max3A_426 = arith.maximumf %max3A_419, %min3A_425 : vector<16xf32>
        %max3A_427 = arith.maximumf %max3A_420, %gather3A_424 : vector<16xf32>
        %add3A_428 = arith.constant 57 : i32
        %add3A_429 = vector.broadcast %add3A_428 : i32 to vector<16xi32>
        %add3A_430 = arith.addi %mul3A_31, %add3A_429 : vector<16xi32>
        %gather3A_431 = tpu.vector_load_idx %arg5[%add3A_430] : memref<16384xf32, #tpu.memory_space<vmem>>[vector<16xi32>], vector<16xf32>,
        %min3A_432 = arith.minimumf %max3A_427, %gather3A_431 : vector<16xf32>
        %max3A_433 = arith.maximumf %max3A_426, %min3A_432 : vector<16xf32>
        %max3A_434 = arith.maximumf %max3A_427, %gather3A_431 : vector<16xf32>
        %add3A_435 = arith.constant 58 : i32
        %add3A_436 = vector.broadcast %add3A_435 : i32 to vector<16xi32>
        %add3A_437 = arith.addi %mul3A_31, %add3A_436 : vector<16xi32>
        %gather3A_438 = tpu.vector_load_idx %arg5[%add3A_437] : memref<16384xf32, #tpu.memory_space<vmem>>[vector<16xi32>], vector<16xf32>,
        %min3A_439 = arith.minimumf %max3A_434, %gather3A_438 : vector<16xf32>
        %max3A_440 = arith.maximumf %max3A_433, %min3A_439 : vector<16xf32>
        %max3A_441 = arith.maximumf %max3A_434, %gather3A_438 : vector<16xf32>
        %add3A_442 = arith.constant 59 : i32
        %add3A_443 = vector.broadcast %add3A_442 : i32 to vector<16xi32>
        %add3A_444 = arith.addi %mul3A_31, %add3A_443 : vector<16xi32>
        %gather3A_445 = tpu.vector_load_idx %arg5[%add3A_444] : memref<16384xf32, #tpu.memory_space<vmem>>[vector<16xi32>], vector<16xf32>,
        %min3A_446 = arith.minimumf %max3A_441, %gather3A_445 : vector<16xf32>
        %max3A_447 = arith.maximumf %max3A_440, %min3A_446 : vector<16xf32>
        %max3A_448 = arith.maximumf %max3A_441, %gather3A_445 : vector<16xf32>
        %add3A_449 = arith.constant 60 : i32
        %add3A_450 = vector.broadcast %add3A_449 : i32 to vector<16xi32>
        %add3A_451 = arith.addi %mul3A_31, %add3A_450 : vector<16xi32>
        %gather3A_452 = tpu.vector_load_idx %arg5[%add3A_451] : memref<16384xf32, #tpu.memory_space<vmem>>[vector<16xi32>], vector<16xf32>,
        %min3A_453 = arith.minimumf %max3A_448, %gather3A_452 : vector<16xf32>
        %max3A_454 = arith.maximumf %max3A_447, %min3A_453 : vector<16xf32>
        %max3A_455 = arith.maximumf %max3A_448, %gather3A_452 : vector<16xf32>
        %add3A_456 = arith.constant 61 : i32
        %add3A_457 = vector.broadcast %add3A_456 : i32 to vector<16xi32>
        %add3A_458 = arith.addi %mul3A_31, %add3A_457 : vector<16xi32>
        %gather3A_459 = tpu.vector_load_idx %arg5[%add3A_458] : memref<16384xf32, #tpu.memory_space<vmem>>[vector<16xi32>], vector<16xf32>,
        %min3A_460 = arith.minimumf %max3A_455, %gather3A_459 : vector<16xf32>
        %max3A_461 = arith.maximumf %max3A_454, %min3A_460 : vector<16xf32>
        %max3A_462 = arith.maximumf %max3A_455, %gather3A_459 : vector<16xf32>
        %add3A_463 = arith.constant 62 : i32
        %add3A_464 = vector.broadcast %add3A_463 : i32 to vector<16xi32>
        %add3A_465 = arith.addi %mul3A_31, %add3A_464 : vector<16xi32>
        %gather3A_466 = tpu.vector_load_idx %arg5[%add3A_465] : memref<16384xf32, #tpu.memory_space<vmem>>[vector<16xi32>], vector<16xf32>,
        %min3A_467 = arith.minimumf %max3A_462, %gather3A_466 : vector<16xf32>
        %max3A_468 = arith.maximumf %max3A_461, %min3A_467 : vector<16xf32>
        %max3A_469 = arith.maximumf %max3A_462, %gather3A_466 : vector<16xf32>
        %add3A_470 = arith.constant 63 : i32
        %add3A_471 = vector.broadcast %add3A_470 : i32 to vector<16xi32>
        %add3A_472 = arith.addi %mul3A_31, %add3A_471 : vector<16xi32>
        %gather3A_473 = tpu.vector_load_idx %arg5[%add3A_472] : memref<16384xf32, #tpu.memory_space<vmem>>[vector<16xi32>], vector<16xf32>,
        %min3A_474 = arith.minimumf %max3A_469, %gather3A_473 : vector<16xf32>
        %max3A_475 = arith.maximumf %max3A_468, %min3A_474 : vector<16xf32>
        %max3A_476 = arith.maximumf %max3A_469, %gather3A_473 : vector<16xf32>
        %broadcast_in_dim3A_477 = arith.constant 1 : i32
        %broadcast_in_dim3A_478 = vector.broadcast %broadcast_in_dim3A_477 : i32 to vector<16xi32>
        %broadcast_in_dim3A_479 = arith.constant 0 : i32
        %broadcast_in_dim3A_480 = vector.broadcast %broadcast_in_dim3A_479 : i32 to vector<16xi32>
        %add3A_481 = arith.constant 0 : i32
        %add3A_482 = vector.broadcast %add3A_481 : i32 to vector<16xi32>
        %add3A_483 = arith.addi %mul3A_31, %add3A_482 : vector<16xi32>
        %gather3A_484 = tpu.vector_load_idx %arg5[%add3A_483] : memref<16384xf32, #tpu.memory_space<vmem>>[vector<16xi32>], vector<16xf32>,
        %ge3A = arith.cmpf oge, %gather3A_484, %max3A_475 : vector<16xf32>
        %add3A_485 = arith.constant 0 : i32
        %add3A_486 = vector.broadcast %add3A_485 : i32 to vector<16xi32>
        %add3A_487 = arith.addi %mul3A_31, %add3A_486 : vector<16xi32>
        %jit3A = arith.constant 0.000000e+00 : f32
        %broadcast_in_dim3A_488 = vector.broadcast %jit3A : f32 to vector<16xf32>
        %select_n3A = arith.select %ge3A, %gather3A_484, %broadcast_in_dim3A_488 : vector<16xi1>, vector<16xf32>
        tpu.vector_store_idx %arg6[%add3A_487], %select_n3A : memref<16384xf32, #tpu.memory_space<vmem>>[vector<16xi32>], vector<16xf32>,
        %add3A_489 = arith.constant 0 : i32
        %add3A_490 = vector.broadcast %add3A_489 : i32 to vector<16xi32>
        %add3A_491 = arith.addi %mul3A_31, %add3A_490 : vector<16xi32>
        %select_n3A_492 = arith.select %ge3A, %broadcast_in_dim3A_478, %broadcast_in_dim3A_480 : vector<16xi1>, vector<16xi32>
        tpu.vector_store_idx %arg7[%add3A_491], %select_n3A_492 : memref<16384xi32, #tpu.memory_space<vmem>>[vector<16xi32>], vector<16xi32>,
        %add3A_493 = arith.constant 1 : i32
        %add3A_494 = vector.broadcast %add3A_493 : i32 to vector<16xi32>
        %add3A_495 = arith.addi %mul3A_31, %add3A_494 : vector<16xi32>
        %gather3A_496 = tpu.vector_load_idx %arg5[%add3A_495] : memref<16384xf32, #tpu.memory_space<vmem>>[vector<16xi32>], vector<16xf32>,
        %ge3A_497 = arith.cmpf oge, %gather3A_496, %max3A_475 : vector<16xf32>
        %add3A_498 = arith.constant 1 : i32
        %add3A_499 = vector.broadcast %add3A_498 : i32 to vector<16xi32>
        %add3A_500 = arith.addi %mul3A_31, %add3A_499 : vector<16xi32>
        %jit3A_501 = arith.constant 0.000000e+00 : f32
        %broadcast_in_dim3A_502 = vector.broadcast %jit3A_501 : f32 to vector<16xf32>
        %select_n3A_503 = arith.select %ge3A_497, %gather3A_496, %broadcast_in_dim3A_502 : vector<16xi1>, vector<16xf32>
        tpu.vector_store_idx %arg6[%add3A_500], %select_n3A_503 : memref<16384xf32, #tpu.memory_space<vmem>>[vector<16xi32>], vector<16xf32>,
        %add3A_504 = arith.constant 1 : i32
        %add3A_505 = vector.broadcast %add3A_504 : i32 to vector<16xi32>
        %add3A_506 = arith.addi %mul3A_31, %add3A_505 : vector<16xi32>
        %select_n3A_507 = arith.select %ge3A_497, %broadcast_in_dim3A_478, %broadcast_in_dim3A_480 : vector<16xi1>, vector<16xi32>
        tpu.vector_store_idx %arg7[%add3A_506], %select_n3A_507 : memref<16384xi32, #tpu.memory_space<vmem>>[vector<16xi32>], vector<16xi32>,
        %add3A_508 = arith.constant 2 : i32
        %add3A_509 = vector.broadcast %add3A_508 : i32 to vector<16xi32>
        %add3A_510 = arith.addi %mul3A_31, %add3A_509 : vector<16xi32>
        %gather3A_511 = tpu.vector_load_idx %arg5[%add3A_510] : memref<16384xf32, #tpu.memory_space<vmem>>[vector<16xi32>], vector<16xf32>,
        %ge3A_512 = arith.cmpf oge, %gather3A_511, %max3A_475 : vector<16xf32>
        %add3A_513 = arith.constant 2 : i32
        %add3A_514 = vector.broadcast %add3A_513 : i32 to vector<16xi32>
        %add3A_515 = arith.addi %mul3A_31, %add3A_514 : vector<16xi32>
        %jit3A_516 = arith.constant 0.000000e+00 : f32
        %broadcast_in_dim3A_517 = vector.broadcast %jit3A_516 : f32 to vector<16xf32>
        %select_n3A_518 = arith.select %ge3A_512, %gather3A_511, %broadcast_in_dim3A_517 : vector<16xi1>, vector<16xf32>
        tpu.vector_store_idx %arg6[%add3A_515], %select_n3A_518 : memref<16384xf32, #tpu.memory_space<vmem>>[vector<16xi32>], vector<16xf32>,
        %add3A_519 = arith.constant 2 : i32
        %add3A_520 = vector.broadcast %add3A_519 : i32 to vector<16xi32>
        %add3A_521 = arith.addi %mul3A_31, %add3A_520 : vector<16xi32>
        %select_n3A_522 = arith.select %ge3A_512, %broadcast_in_dim3A_478, %broadcast_in_dim3A_480 : vector<16xi1>, vector<16xi32>
        tpu.vector_store_idx %arg7[%add3A_521], %select_n3A_522 : memref<16384xi32, #tpu.memory_space<vmem>>[vector<16xi32>], vector<16xi32>,
        %add3A_523 = arith.constant 3 : i32
        %add3A_524 = vector.broadcast %add3A_523 : i32 to vector<16xi32>
        %add3A_525 = arith.addi %mul3A_31, %add3A_524 : vector<16xi32>
        %gather3A_526 = tpu.vector_load_idx %arg5[%add3A_525] : memref<16384xf32, #tpu.memory_space<vmem>>[vector<16xi32>], vector<16xf32>,
        %ge3A_527 = arith.cmpf oge, %gather3A_526, %max3A_475 : vector<16xf32>
        %add3A_528 = arith.constant 3 : i32
        %add3A_529 = vector.broadcast %add3A_528 : i32 to vector<16xi32>
        %add3A_530 = arith.addi %mul3A_31, %add3A_529 : vector<16xi32>
        %jit3A_531 = arith.constant 0.000000e+00 : f32
        %broadcast_in_dim3A_532 = vector.broadcast %jit3A_531 : f32 to vector<16xf32>
        %select_n3A_533 = arith.select %ge3A_527, %gather3A_526, %broadcast_in_dim3A_532 : vector<16xi1>, vector<16xf32>
        tpu.vector_store_idx %arg6[%add3A_530], %select_n3A_533 : memref<16384xf32, #tpu.memory_space<vmem>>[vector<16xi32>], vector<16xf32>,
        %add3A_534 = arith.constant 3 : i32
        %add3A_535 = vector.broadcast %add3A_534 : i32 to vector<16xi32>
        %add3A_536 = arith.addi %mul3A_31, %add3A_535 : vector<16xi32>
        %select_n3A_537 = arith.select %ge3A_527, %broadcast_in_dim3A_478, %broadcast_in_dim3A_480 : vector<16xi1>, vector<16xi32>
        tpu.vector_store_idx %arg7[%add3A_536], %select_n3A_537 : memref<16384xi32, #tpu.memory_space<vmem>>[vector<16xi32>], vector<16xi32>,
        %add3A_538 = arith.constant 4 : i32
        %add3A_539 = vector.broadcast %add3A_538 : i32 to vector<16xi32>
        %add3A_540 = arith.addi %mul3A_31, %add3A_539 : vector<16xi32>
        %gather3A_541 = tpu.vector_load_idx %arg5[%add3A_540] : memref<16384xf32, #tpu.memory_space<vmem>>[vector<16xi32>], vector<16xf32>,
        %ge3A_542 = arith.cmpf oge, %gather3A_541, %max3A_475 : vector<16xf32>
        %add3A_543 = arith.constant 4 : i32
        %add3A_544 = vector.broadcast %add3A_543 : i32 to vector<16xi32>
        %add3A_545 = arith.addi %mul3A_31, %add3A_544 : vector<16xi32>
        %jit3A_546 = arith.constant 0.000000e+00 : f32
        %broadcast_in_dim3A_547 = vector.broadcast %jit3A_546 : f32 to vector<16xf32>
        %select_n3A_548 = arith.select %ge3A_542, %gather3A_541, %broadcast_in_dim3A_547 : vector<16xi1>, vector<16xf32>
        tpu.vector_store_idx %arg6[%add3A_545], %select_n3A_548 : memref<16384xf32, #tpu.memory_space<vmem>>[vector<16xi32>], vector<16xf32>,
        %add3A_549 = arith.constant 4 : i32
        %add3A_550 = vector.broadcast %add3A_549 : i32 to vector<16xi32>
        %add3A_551 = arith.addi %mul3A_31, %add3A_550 : vector<16xi32>
        %select_n3A_552 = arith.select %ge3A_542, %broadcast_in_dim3A_478, %broadcast_in_dim3A_480 : vector<16xi1>, vector<16xi32>
        tpu.vector_store_idx %arg7[%add3A_551], %select_n3A_552 : memref<16384xi32, #tpu.memory_space<vmem>>[vector<16xi32>], vector<16xi32>,
        %add3A_553 = arith.constant 5 : i32
        %add3A_554 = vector.broadcast %add3A_553 : i32 to vector<16xi32>
        %add3A_555 = arith.addi %mul3A_31, %add3A_554 : vector<16xi32>
        %gather3A_556 = tpu.vector_load_idx %arg5[%add3A_555] : memref<16384xf32, #tpu.memory_space<vmem>>[vector<16xi32>], vector<16xf32>,
        %ge3A_557 = arith.cmpf oge, %gather3A_556, %max3A_475 : vector<16xf32>
        %add3A_558 = arith.constant 5 : i32
        %add3A_559 = vector.broadcast %add3A_558 : i32 to vector<16xi32>
        %add3A_560 = arith.addi %mul3A_31, %add3A_559 : vector<16xi32>
        %jit3A_561 = arith.constant 0.000000e+00 : f32
        %broadcast_in_dim3A_562 = vector.broadcast %jit3A_561 : f32 to vector<16xf32>
        %select_n3A_563 = arith.select %ge3A_557, %gather3A_556, %broadcast_in_dim3A_562 : vector<16xi1>, vector<16xf32>
        tpu.vector_store_idx %arg6[%add3A_560], %select_n3A_563 : memref<16384xf32, #tpu.memory_space<vmem>>[vector<16xi32>], vector<16xf32>,
        %add3A_564 = arith.constant 5 : i32
        %add3A_565 = vector.broadcast %add3A_564 : i32 to vector<16xi32>
        %add3A_566 = arith.addi %mul3A_31, %add3A_565 : vector<16xi32>
        %select_n3A_567 = arith.select %ge3A_557, %broadcast_in_dim3A_478, %broadcast_in_dim3A_480 : vector<16xi1>, vector<16xi32>
        tpu.vector_store_idx %arg7[%add3A_566], %select_n3A_567 : memref<16384xi32, #tpu.memory_space<vmem>>[vector<16xi32>], vector<16xi32>,
        %add3A_568 = arith.constant 6 : i32
        %add3A_569 = vector.broadcast %add3A_568 : i32 to vector<16xi32>
        %add3A_570 = arith.addi %mul3A_31, %add3A_569 : vector<16xi32>
        %gather3A_571 = tpu.vector_load_idx %arg5[%add3A_570] : memref<16384xf32, #tpu.memory_space<vmem>>[vector<16xi32>], vector<16xf32>,
        %ge3A_572 = arith.cmpf oge, %gather3A_571, %max3A_475 : vector<16xf32>
        %add3A_573 = arith.constant 6 : i32
        %add3A_574 = vector.broadcast %add3A_573 : i32 to vector<16xi32>
        %add3A_575 = arith.addi %mul3A_31, %add3A_574 : vector<16xi32>
        %jit3A_576 = arith.constant 0.000000e+00 : f32
        %broadcast_in_dim3A_577 = vector.broadcast %jit3A_576 : f32 to vector<16xf32>
        %select_n3A_578 = arith.select %ge3A_572, %gather3A_571, %broadcast_in_dim3A_577 : vector<16xi1>, vector<16xf32>
        tpu.vector_store_idx %arg6[%add3A_575], %select_n3A_578 : memref<16384xf32, #tpu.memory_space<vmem>>[vector<16xi32>], vector<16xf32>,
        %add3A_579 = arith.constant 6 : i32
        %add3A_580 = vector.broadcast %add3A_579 : i32 to vector<16xi32>
        %add3A_581 = arith.addi %mul3A_31, %add3A_580 : vector<16xi32>
        %select_n3A_582 = arith.select %ge3A_572, %broadcast_in_dim3A_478, %broadcast_in_dim3A_480 : vector<16xi1>, vector<16xi32>
        tpu.vector_store_idx %arg7[%add3A_581], %select_n3A_582 : memref<16384xi32, #tpu.memory_space<vmem>>[vector<16xi32>], vector<16xi32>,
        %add3A_583 = arith.constant 7 : i32
        %add3A_584 = vector.broadcast %add3A_583 : i32 to vector<16xi32>
        %add3A_585 = arith.addi %mul3A_31, %add3A_584 : vector<16xi32>
        %gather3A_586 = tpu.vector_load_idx %arg5[%add3A_585] : memref<16384xf32, #tpu.memory_space<vmem>>[vector<16xi32>], vector<16xf32>,
        %ge3A_587 = arith.cmpf oge, %gather3A_586, %max3A_475 : vector<16xf32>
        %add3A_588 = arith.constant 7 : i32
        %add3A_589 = vector.broadcast %add3A_588 : i32 to vector<16xi32>
        %add3A_590 = arith.addi %mul3A_31, %add3A_589 : vector<16xi32>
        %jit3A_591 = arith.constant 0.000000e+00 : f32
        %broadcast_in_dim3A_592 = vector.broadcast %jit3A_591 : f32 to vector<16xf32>
        %select_n3A_593 = arith.select %ge3A_587, %gather3A_586, %broadcast_in_dim3A_592 : vector<16xi1>, vector<16xf32>
        tpu.vector_store_idx %arg6[%add3A_590], %select_n3A_593 : memref<16384xf32, #tpu.memory_space<vmem>>[vector<16xi32>], vector<16xf32>,
        %add3A_594 = arith.constant 7 : i32
        %add3A_595 = vector.broadcast %add3A_594 : i32 to vector<16xi32>
        %add3A_596 = arith.addi %mul3A_31, %add3A_595 : vector<16xi32>
        %select_n3A_597 = arith.select %ge3A_587, %broadcast_in_dim3A_478, %broadcast_in_dim3A_480 : vector<16xi1>, vector<16xi32>
        tpu.vector_store_idx %arg7[%add3A_596], %select_n3A_597 : memref<16384xi32, #tpu.memory_space<vmem>>[vector<16xi32>], vector<16xi32>,
        %add3A_598 = arith.constant 8 : i32
        %add3A_599 = vector.broadcast %add3A_598 : i32 to vector<16xi32>
        %add3A_600 = arith.addi %mul3A_31, %add3A_599 : vector<16xi32>
        %gather3A_601 = tpu.vector_load_idx %arg5[%add3A_600] : memref<16384xf32, #tpu.memory_space<vmem>>[vector<16xi32>], vector<16xf32>,
        %ge3A_602 = arith.cmpf oge, %gather3A_601, %max3A_475 : vector<16xf32>
        %add3A_603 = arith.constant 8 : i32
        %add3A_604 = vector.broadcast %add3A_603 : i32 to vector<16xi32>
        %add3A_605 = arith.addi %mul3A_31, %add3A_604 : vector<16xi32>
        %jit3A_606 = arith.constant 0.000000e+00 : f32
        %broadcast_in_dim3A_607 = vector.broadcast %jit3A_606 : f32 to vector<16xf32>
        %select_n3A_608 = arith.select %ge3A_602, %gather3A_601, %broadcast_in_dim3A_607 : vector<16xi1>, vector<16xf32>
        tpu.vector_store_idx %arg6[%add3A_605], %select_n3A_608 : memref<16384xf32, #tpu.memory_space<vmem>>[vector<16xi32>], vector<16xf32>,
        %add3A_609 = arith.constant 8 : i32
        %add3A_610 = vector.broadcast %add3A_609 : i32 to vector<16xi32>
        %add3A_611 = arith.addi %mul3A_31, %add3A_610 : vector<16xi32>
        %select_n3A_612 = arith.select %ge3A_602, %broadcast_in_dim3A_478, %broadcast_in_dim3A_480 : vector<16xi1>, vector<16xi32>
        tpu.vector_store_idx %arg7[%add3A_611], %select_n3A_612 : memref<16384xi32, #tpu.memory_space<vmem>>[vector<16xi32>], vector<16xi32>,
        %add3A_613 = arith.constant 9 : i32
        %add3A_614 = vector.broadcast %add3A_613 : i32 to vector<16xi32>
        %add3A_615 = arith.addi %mul3A_31, %add3A_614 : vector<16xi32>
        %gather3A_616 = tpu.vector_load_idx %arg5[%add3A_615] : memref<16384xf32, #tpu.memory_space<vmem>>[vector<16xi32>], vector<16xf32>,
        %ge3A_617 = arith.cmpf oge, %gather3A_616, %max3A_475 : vector<16xf32>
        %add3A_618 = arith.constant 9 : i32
        %add3A_619 = vector.broadcast %add3A_618 : i32 to vector<16xi32>
        %add3A_620 = arith.addi %mul3A_31, %add3A_619 : vector<16xi32>
        %jit3A_621 = arith.constant 0.000000e+00 : f32
        %broadcast_in_dim3A_622 = vector.broadcast %jit3A_621 : f32 to vector<16xf32>
        %select_n3A_623 = arith.select %ge3A_617, %gather3A_616, %broadcast_in_dim3A_622 : vector<16xi1>, vector<16xf32>
        tpu.vector_store_idx %arg6[%add3A_620], %select_n3A_623 : memref<16384xf32, #tpu.memory_space<vmem>>[vector<16xi32>], vector<16xf32>,
        %add3A_624 = arith.constant 9 : i32
        %add3A_625 = vector.broadcast %add3A_624 : i32 to vector<16xi32>
        %add3A_626 = arith.addi %mul3A_31, %add3A_625 : vector<16xi32>
        %select_n3A_627 = arith.select %ge3A_617, %broadcast_in_dim3A_478, %broadcast_in_dim3A_480 : vector<16xi1>, vector<16xi32>
        tpu.vector_store_idx %arg7[%add3A_626], %select_n3A_627 : memref<16384xi32, #tpu.memory_space<vmem>>[vector<16xi32>], vector<16xi32>,
        %add3A_628 = arith.constant 10 : i32
        %add3A_629 = vector.broadcast %add3A_628 : i32 to vector<16xi32>
        %add3A_630 = arith.addi %mul3A_31, %add3A_629 : vector<16xi32>
        %gather3A_631 = tpu.vector_load_idx %arg5[%add3A_630] : memref<16384xf32, #tpu.memory_space<vmem>>[vector<16xi32>], vector<16xf32>,
        %ge3A_632 = arith.cmpf oge, %gather3A_631, %max3A_475 : vector<16xf32>
        %add3A_633 = arith.constant 10 : i32
        %add3A_634 = vector.broadcast %add3A_633 : i32 to vector<16xi32>
        %add3A_635 = arith.addi %mul3A_31, %add3A_634 : vector<16xi32>
        %jit3A_636 = arith.constant 0.000000e+00 : f32
        %broadcast_in_dim3A_637 = vector.broadcast %jit3A_636 : f32 to vector<16xf32>
        %select_n3A_638 = arith.select %ge3A_632, %gather3A_631, %broadcast_in_dim3A_637 : vector<16xi1>, vector<16xf32>
        tpu.vector_store_idx %arg6[%add3A_635], %select_n3A_638 : memref<16384xf32, #tpu.memory_space<vmem>>[vector<16xi32>], vector<16xf32>,
        %add3A_639 = arith.constant 10 : i32
        %add3A_640 = vector.broadcast %add3A_639 : i32 to vector<16xi32>
        %add3A_641 = arith.addi %mul3A_31, %add3A_640 : vector<16xi32>
        %select_n3A_642 = arith.select %ge3A_632, %broadcast_in_dim3A_478, %broadcast_in_dim3A_480 : vector<16xi1>, vector<16xi32>
        tpu.vector_store_idx %arg7[%add3A_641], %select_n3A_642 : memref<16384xi32, #tpu.memory_space<vmem>>[vector<16xi32>], vector<16xi32>,
        %add3A_643 = arith.constant 11 : i32
        %add3A_644 = vector.broadcast %add3A_643 : i32 to vector<16xi32>
        %add3A_645 = arith.addi %mul3A_31, %add3A_644 : vector<16xi32>
        %gather3A_646 = tpu.vector_load_idx %arg5[%add3A_645] : memref<16384xf32, #tpu.memory_space<vmem>>[vector<16xi32>], vector<16xf32>,
        %ge3A_647 = arith.cmpf oge, %gather3A_646, %max3A_475 : vector<16xf32>
        %add3A_648 = arith.constant 11 : i32
        %add3A_649 = vector.broadcast %add3A_648 : i32 to vector<16xi32>
        %add3A_650 = arith.addi %mul3A_31, %add3A_649 : vector<16xi32>
        %jit3A_651 = arith.constant 0.000000e+00 : f32
        %broadcast_in_dim3A_652 = vector.broadcast %jit3A_651 : f32 to vector<16xf32>
        %select_n3A_653 = arith.select %ge3A_647, %gather3A_646, %broadcast_in_dim3A_652 : vector<16xi1>, vector<16xf32>
        tpu.vector_store_idx %arg6[%add3A_650], %select_n3A_653 : memref<16384xf32, #tpu.memory_space<vmem>>[vector<16xi32>], vector<16xf32>,
        %add3A_654 = arith.constant 11 : i32
        %add3A_655 = vector.broadcast %add3A_654 : i32 to vector<16xi32>
        %add3A_656 = arith.addi %mul3A_31, %add3A_655 : vector<16xi32>
        %select_n3A_657 = arith.select %ge3A_647, %broadcast_in_dim3A_478, %broadcast_in_dim3A_480 : vector<16xi1>, vector<16xi32>
        tpu.vector_store_idx %arg7[%add3A_656], %select_n3A_657 : memref<16384xi32, #tpu.memory_space<vmem>>[vector<16xi32>], vector<16xi32>,
        %add3A_658 = arith.constant 12 : i32
        %add3A_659 = vector.broadcast %add3A_658 : i32 to vector<16xi32>
        %add3A_660 = arith.addi %mul3A_31, %add3A_659 : vector<16xi32>
        %gather3A_661 = tpu.vector_load_idx %arg5[%add3A_660] : memref<16384xf32, #tpu.memory_space<vmem>>[vector<16xi32>], vector<16xf32>,
        %ge3A_662 = arith.cmpf oge, %gather3A_661, %max3A_475 : vector<16xf32>
        %add3A_663 = arith.constant 12 : i32
        %add3A_664 = vector.broadcast %add3A_663 : i32 to vector<16xi32>
        %add3A_665 = arith.addi %mul3A_31, %add3A_664 : vector<16xi32>
        %jit3A_666 = arith.constant 0.000000e+00 : f32
        %broadcast_in_dim3A_667 = vector.broadcast %jit3A_666 : f32 to vector<16xf32>
        %select_n3A_668 = arith.select %ge3A_662, %gather3A_661, %broadcast_in_dim3A_667 : vector<16xi1>, vector<16xf32>
        tpu.vector_store_idx %arg6[%add3A_665], %select_n3A_668 : memref<16384xf32, #tpu.memory_space<vmem>>[vector<16xi32>], vector<16xf32>,
        %add3A_669 = arith.constant 12 : i32
        %add3A_670 = vector.broadcast %add3A_669 : i32 to vector<16xi32>
        %add3A_671 = arith.addi %mul3A_31, %add3A_670 : vector<16xi32>
        %select_n3A_672 = arith.select %ge3A_662, %broadcast_in_dim3A_478, %broadcast_in_dim3A_480 : vector<16xi1>, vector<16xi32>
        tpu.vector_store_idx %arg7[%add3A_671], %select_n3A_672 : memref<16384xi32, #tpu.memory_space<vmem>>[vector<16xi32>], vector<16xi32>,
        %add3A_673 = arith.constant 13 : i32
        %add3A_674 = vector.broadcast %add3A_673 : i32 to vector<16xi32>
        %add3A_675 = arith.addi %mul3A_31, %add3A_674 : vector<16xi32>
        %gather3A_676 = tpu.vector_load_idx %arg5[%add3A_675] : memref<16384xf32, #tpu.memory_space<vmem>>[vector<16xi32>], vector<16xf32>,
        %ge3A_677 = arith.cmpf oge, %gather3A_676, %max3A_475 : vector<16xf32>
        %add3A_678 = arith.constant 13 : i32
        %add3A_679 = vector.broadcast %add3A_678 : i32 to vector<16xi32>
        %add3A_680 = arith.addi %mul3A_31, %add3A_679 : vector<16xi32>
        %jit3A_681 = arith.constant 0.000000e+00 : f32
        %broadcast_in_dim3A_682 = vector.broadcast %jit3A_681 : f32 to vector<16xf32>
        %select_n3A_683 = arith.select %ge3A_677, %gather3A_676, %broadcast_in_dim3A_682 : vector<16xi1>, vector<16xf32>
        tpu.vector_store_idx %arg6[%add3A_680], %select_n3A_683 : memref<16384xf32, #tpu.memory_space<vmem>>[vector<16xi32>], vector<16xf32>,
        %add3A_684 = arith.constant 13 : i32
        %add3A_685 = vector.broadcast %add3A_684 : i32 to vector<16xi32>
        %add3A_686 = arith.addi %mul3A_31, %add3A_685 : vector<16xi32>
        %select_n3A_687 = arith.select %ge3A_677, %broadcast_in_dim3A_478, %broadcast_in_dim3A_480 : vector<16xi1>, vector<16xi32>
        tpu.vector_store_idx %arg7[%add3A_686], %select_n3A_687 : memref<16384xi32, #tpu.memory_space<vmem>>[vector<16xi32>], vector<16xi32>,
        %add3A_688 = arith.constant 14 : i32
        %add3A_689 = vector.broadcast %add3A_688 : i32 to vector<16xi32>
        %add3A_690 = arith.addi %mul3A_31, %add3A_689 : vector<16xi32>
        %gather3A_691 = tpu.vector_load_idx %arg5[%add3A_690] : memref<16384xf32, #tpu.memory_space<vmem>>[vector<16xi32>], vector<16xf32>,
        %ge3A_692 = arith.cmpf oge, %gather3A_691, %max3A_475 : vector<16xf32>
        %add3A_693 = arith.constant 14 : i32
        %add3A_694 = vector.broadcast %add3A_693 : i32 to vector<16xi32>
        %add3A_695 = arith.addi %mul3A_31, %add3A_694 : vector<16xi32>
        %jit3A_696 = arith.constant 0.000000e+00 : f32
        %broadcast_in_dim3A_697 = vector.broadcast %jit3A_696 : f32 to vector<16xf32>
        %select_n3A_698 = arith.select %ge3A_692, %gather3A_691, %broadcast_in_dim3A_697 : vector<16xi1>, vector<16xf32>
        tpu.vector_store_idx %arg6[%add3A_695], %select_n3A_698 : memref<16384xf32, #tpu.memory_space<vmem>>[vector<16xi32>], vector<16xf32>,
        %add3A_699 = arith.constant 14 : i32
        %add3A_700 = vector.broadcast %add3A_699 : i32 to vector<16xi32>
        %add3A_701 = arith.addi %mul3A_31, %add3A_700 : vector<16xi32>
        %select_n3A_702 = arith.select %ge3A_692, %broadcast_in_dim3A_478, %broadcast_in_dim3A_480 : vector<16xi1>, vector<16xi32>
        tpu.vector_store_idx %arg7[%add3A_701], %select_n3A_702 : memref<16384xi32, #tpu.memory_space<vmem>>[vector<16xi32>], vector<16xi32>,
        %add3A_703 = arith.constant 15 : i32
        %add3A_704 = vector.broadcast %add3A_703 : i32 to vector<16xi32>
        %add3A_705 = arith.addi %mul3A_31, %add3A_704 : vector<16xi32>
        %gather3A_706 = tpu.vector_load_idx %arg5[%add3A_705] : memref<16384xf32, #tpu.memory_space<vmem>>[vector<16xi32>], vector<16xf32>,
        %ge3A_707 = arith.cmpf oge, %gather3A_706, %max3A_475 : vector<16xf32>
        %add3A_708 = arith.constant 15 : i32
        %add3A_709 = vector.broadcast %add3A_708 : i32 to vector<16xi32>
        %add3A_710 = arith.addi %mul3A_31, %add3A_709 : vector<16xi32>
        %jit3A_711 = arith.constant 0.000000e+00 : f32
        %broadcast_in_dim3A_712 = vector.broadcast %jit3A_711 : f32 to vector<16xf32>
        %select_n3A_713 = arith.select %ge3A_707, %gather3A_706, %broadcast_in_dim3A_712 : vector<16xi1>, vector<16xf32>
        tpu.vector_store_idx %arg6[%add3A_710], %select_n3A_713 : memref<16384xf32, #tpu.memory_space<vmem>>[vector<16xi32>], vector<16xf32>,
        %add3A_714 = arith.constant 15 : i32
        %add3A_715 = vector.broadcast %add3A_714 : i32 to vector<16xi32>
        %add3A_716 = arith.addi %mul3A_31, %add3A_715 : vector<16xi32>
        %select_n3A_717 = arith.select %ge3A_707, %broadcast_in_dim3A_478, %broadcast_in_dim3A_480 : vector<16xi1>, vector<16xi32>
        tpu.vector_store_idx %arg7[%add3A_716], %select_n3A_717 : memref<16384xi32, #tpu.memory_space<vmem>>[vector<16xi32>], vector<16xi32>,
        %add3A_718 = arith.constant 16 : i32
        %add3A_719 = vector.broadcast %add3A_718 : i32 to vector<16xi32>
        %add3A_720 = arith.addi %mul3A_31, %add3A_719 : vector<16xi32>
        %gather3A_721 = tpu.vector_load_idx %arg5[%add3A_720] : memref<16384xf32, #tpu.memory_space<vmem>>[vector<16xi32>], vector<16xf32>,
        %ge3A_722 = arith.cmpf oge, %gather3A_721, %max3A_475 : vector<16xf32>
        %add3A_723 = arith.constant 16 : i32
        %add3A_724 = vector.broadcast %add3A_723 : i32 to vector<16xi32>
        %add3A_725 = arith.addi %mul3A_31, %add3A_724 : vector<16xi32>
        %jit3A_726 = arith.constant 0.000000e+00 : f32
        %broadcast_in_dim3A_727 = vector.broadcast %jit3A_726 : f32 to vector<16xf32>
        %select_n3A_728 = arith.select %ge3A_722, %gather3A_721, %broadcast_in_dim3A_727 : vector<16xi1>, vector<16xf32>
        tpu.vector_store_idx %arg6[%add3A_725], %select_n3A_728 : memref<16384xf32, #tpu.memory_space<vmem>>[vector<16xi32>], vector<16xf32>,
        %add3A_729 = arith.constant 16 : i32
        %add3A_730 = vector.broadcast %add3A_729 : i32 to vector<16xi32>
        %add3A_731 = arith.addi %mul3A_31, %add3A_730 : vector<16xi32>
        %select_n3A_732 = arith.select %ge3A_722, %broadcast_in_dim3A_478, %broadcast_in_dim3A_480 : vector<16xi1>, vector<16xi32>
        tpu.vector_store_idx %arg7[%add3A_731], %select_n3A_732 : memref<16384xi32, #tpu.memory_space<vmem>>[vector<16xi32>], vector<16xi32>,
        %add3A_733 = arith.constant 17 : i32
        %add3A_734 = vector.broadcast %add3A_733 : i32 to vector<16xi32>
        %add3A_735 = arith.addi %mul3A_31, %add3A_734 : vector<16xi32>
        %gather3A_736 = tpu.vector_load_idx %arg5[%add3A_735] : memref<16384xf32, #tpu.memory_space<vmem>>[vector<16xi32>], vector<16xf32>,
        %ge3A_737 = arith.cmpf oge, %gather3A_736, %max3A_475 : vector<16xf32>
        %add3A_738 = arith.constant 17 : i32
        %add3A_739 = vector.broadcast %add3A_738 : i32 to vector<16xi32>
        %add3A_740 = arith.addi %mul3A_31, %add3A_739 : vector<16xi32>
        %jit3A_741 = arith.constant 0.000000e+00 : f32
        %broadcast_in_dim3A_742 = vector.broadcast %jit3A_741 : f32 to vector<16xf32>
        %select_n3A_743 = arith.select %ge3A_737, %gather3A_736, %broadcast_in_dim3A_742 : vector<16xi1>, vector<16xf32>
        tpu.vector_store_idx %arg6[%add3A_740], %select_n3A_743 : memref<16384xf32, #tpu.memory_space<vmem>>[vector<16xi32>], vector<16xf32>,
        %add3A_744 = arith.constant 17 : i32
        %add3A_745 = vector.broadcast %add3A_744 : i32 to vector<16xi32>
        %add3A_746 = arith.addi %mul3A_31, %add3A_745 : vector<16xi32>
        %select_n3A_747 = arith.select %ge3A_737, %broadcast_in_dim3A_478, %broadcast_in_dim3A_480 : vector<16xi1>, vector<16xi32>
        tpu.vector_store_idx %arg7[%add3A_746], %select_n3A_747 : memref<16384xi32, #tpu.memory_space<vmem>>[vector<16xi32>], vector<16xi32>,
        %add3A_748 = arith.constant 18 : i32
        %add3A_749 = vector.broadcast %add3A_748 : i32 to vector<16xi32>
        %add3A_750 = arith.addi %mul3A_31, %add3A_749 : vector<16xi32>
        %gather3A_751 = tpu.vector_load_idx %arg5[%add3A_750] : memref<16384xf32, #tpu.memory_space<vmem>>[vector<16xi32>], vector<16xf32>,
        %ge3A_752 = arith.cmpf oge, %gather3A_751, %max3A_475 : vector<16xf32>
        %add3A_753 = arith.constant 18 : i32
        %add3A_754 = vector.broadcast %add3A_753 : i32 to vector<16xi32>
        %add3A_755 = arith.addi %mul3A_31, %add3A_754 : vector<16xi32>
        %jit3A_756 = arith.constant 0.000000e+00 : f32
        %broadcast_in_dim3A_757 = vector.broadcast %jit3A_756 : f32 to vector<16xf32>
        %select_n3A_758 = arith.select %ge3A_752, %gather3A_751, %broadcast_in_dim3A_757 : vector<16xi1>, vector<16xf32>
        tpu.vector_store_idx %arg6[%add3A_755], %select_n3A_758 : memref<16384xf32, #tpu.memory_space<vmem>>[vector<16xi32>], vector<16xf32>,
        %add3A_759 = arith.constant 18 : i32
        %add3A_760 = vector.broadcast %add3A_759 : i32 to vector<16xi32>
        %add3A_761 = arith.addi %mul3A_31, %add3A_760 : vector<16xi32>
        %select_n3A_762 = arith.select %ge3A_752, %broadcast_in_dim3A_478, %broadcast_in_dim3A_480 : vector<16xi1>, vector<16xi32>
        tpu.vector_store_idx %arg7[%add3A_761], %select_n3A_762 : memref<16384xi32, #tpu.memory_space<vmem>>[vector<16xi32>], vector<16xi32>,
        %add3A_763 = arith.constant 19 : i32
        %add3A_764 = vector.broadcast %add3A_763 : i32 to vector<16xi32>
        %add3A_765 = arith.addi %mul3A_31, %add3A_764 : vector<16xi32>
        %gather3A_766 = tpu.vector_load_idx %arg5[%add3A_765] : memref<16384xf32, #tpu.memory_space<vmem>>[vector<16xi32>], vector<16xf32>,
        %ge3A_767 = arith.cmpf oge, %gather3A_766, %max3A_475 : vector<16xf32>
        %add3A_768 = arith.constant 19 : i32
        %add3A_769 = vector.broadcast %add3A_768 : i32 to vector<16xi32>
        %add3A_770 = arith.addi %mul3A_31, %add3A_769 : vector<16xi32>
        %jit3A_771 = arith.constant 0.000000e+00 : f32
        %broadcast_in_dim3A_772 = vector.broadcast %jit3A_771 : f32 to vector<16xf32>
        %select_n3A_773 = arith.select %ge3A_767, %gather3A_766, %broadcast_in_dim3A_772 : vector<16xi1>, vector<16xf32>
        tpu.vector_store_idx %arg6[%add3A_770], %select_n3A_773 : memref<16384xf32, #tpu.memory_space<vmem>>[vector<16xi32>], vector<16xf32>,
        %add3A_774 = arith.constant 19 : i32
        %add3A_775 = vector.broadcast %add3A_774 : i32 to vector<16xi32>
        %add3A_776 = arith.addi %mul3A_31, %add3A_775 : vector<16xi32>
        %select_n3A_777 = arith.select %ge3A_767, %broadcast_in_dim3A_478, %broadcast_in_dim3A_480 : vector<16xi1>, vector<16xi32>
        tpu.vector_store_idx %arg7[%add3A_776], %select_n3A_777 : memref<16384xi32, #tpu.memory_space<vmem>>[vector<16xi32>], vector<16xi32>,
        %add3A_778 = arith.constant 20 : i32
        %add3A_779 = vector.broadcast %add3A_778 : i32 to vector<16xi32>
        %add3A_780 = arith.addi %mul3A_31, %add3A_779 : vector<16xi32>
        %gather3A_781 = tpu.vector_load_idx %arg5[%add3A_780] : memref<16384xf32, #tpu.memory_space<vmem>>[vector<16xi32>], vector<16xf32>,
        %ge3A_782 = arith.cmpf oge, %gather3A_781, %max3A_475 : vector<16xf32>
        %add3A_783 = arith.constant 20 : i32
        %add3A_784 = vector.broadcast %add3A_783 : i32 to vector<16xi32>
        %add3A_785 = arith.addi %mul3A_31, %add3A_784 : vector<16xi32>
        %jit3A_786 = arith.constant 0.000000e+00 : f32
        %broadcast_in_dim3A_787 = vector.broadcast %jit3A_786 : f32 to vector<16xf32>
        %select_n3A_788 = arith.select %ge3A_782, %gather3A_781, %broadcast_in_dim3A_787 : vector<16xi1>, vector<16xf32>
        tpu.vector_store_idx %arg6[%add3A_785], %select_n3A_788 : memref<16384xf32, #tpu.memory_space<vmem>>[vector<16xi32>], vector<16xf32>,
        %add3A_789 = arith.constant 20 : i32
        %add3A_790 = vector.broadcast %add3A_789 : i32 to vector<16xi32>
        %add3A_791 = arith.addi %mul3A_31, %add3A_790 : vector<16xi32>
        %select_n3A_792 = arith.select %ge3A_782, %broadcast_in_dim3A_478, %broadcast_in_dim3A_480 : vector<16xi1>, vector<16xi32>
        tpu.vector_store_idx %arg7[%add3A_791], %select_n3A_792 : memref<16384xi32, #tpu.memory_space<vmem>>[vector<16xi32>], vector<16xi32>,
        %add3A_793 = arith.constant 21 : i32
        %add3A_794 = vector.broadcast %add3A_793 : i32 to vector<16xi32>
        %add3A_795 = arith.addi %mul3A_31, %add3A_794 : vector<16xi32>
        %gather3A_796 = tpu.vector_load_idx %arg5[%add3A_795] : memref<16384xf32, #tpu.memory_space<vmem>>[vector<16xi32>], vector<16xf32>,
        %ge3A_797 = arith.cmpf oge, %gather3A_796, %max3A_475 : vector<16xf32>
        %add3A_798 = arith.constant 21 : i32
        %add3A_799 = vector.broadcast %add3A_798 : i32 to vector<16xi32>
        %add3A_800 = arith.addi %mul3A_31, %add3A_799 : vector<16xi32>
        %jit3A_801 = arith.constant 0.000000e+00 : f32
        %broadcast_in_dim3A_802 = vector.broadcast %jit3A_801 : f32 to vector<16xf32>
        %select_n3A_803 = arith.select %ge3A_797, %gather3A_796, %broadcast_in_dim3A_802 : vector<16xi1>, vector<16xf32>
        tpu.vector_store_idx %arg6[%add3A_800], %select_n3A_803 : memref<16384xf32, #tpu.memory_space<vmem>>[vector<16xi32>], vector<16xf32>,
        %add3A_804 = arith.constant 21 : i32
        %add3A_805 = vector.broadcast %add3A_804 : i32 to vector<16xi32>
        %add3A_806 = arith.addi %mul3A_31, %add3A_805 : vector<16xi32>
        %select_n3A_807 = arith.select %ge3A_797, %broadcast_in_dim3A_478, %broadcast_in_dim3A_480 : vector<16xi1>, vector<16xi32>
        tpu.vector_store_idx %arg7[%add3A_806], %select_n3A_807 : memref<16384xi32, #tpu.memory_space<vmem>>[vector<16xi32>], vector<16xi32>,
        %add3A_808 = arith.constant 22 : i32
        %add3A_809 = vector.broadcast %add3A_808 : i32 to vector<16xi32>
        %add3A_810 = arith.addi %mul3A_31, %add3A_809 : vector<16xi32>
        %gather3A_811 = tpu.vector_load_idx %arg5[%add3A_810] : memref<16384xf32, #tpu.memory_space<vmem>>[vector<16xi32>], vector<16xf32>,
        %ge3A_812 = arith.cmpf oge, %gather3A_811, %max3A_475 : vector<16xf32>
        %add3A_813 = arith.constant 22 : i32
        %add3A_814 = vector.broadcast %add3A_813 : i32 to vector<16xi32>
        %add3A_815 = arith.addi %mul3A_31, %add3A_814 : vector<16xi32>
        %jit3A_816 = arith.constant 0.000000e+00 : f32
        %broadcast_in_dim3A_817 = vector.broadcast %jit3A_816 : f32 to vector<16xf32>
        %select_n3A_818 = arith.select %ge3A_812, %gather3A_811, %broadcast_in_dim3A_817 : vector<16xi1>, vector<16xf32>
        tpu.vector_store_idx %arg6[%add3A_815], %select_n3A_818 : memref<16384xf32, #tpu.memory_space<vmem>>[vector<16xi32>], vector<16xf32>,
        %add3A_819 = arith.constant 22 : i32
        %add3A_820 = vector.broadcast %add3A_819 : i32 to vector<16xi32>
        %add3A_821 = arith.addi %mul3A_31, %add3A_820 : vector<16xi32>
        %select_n3A_822 = arith.select %ge3A_812, %broadcast_in_dim3A_478, %broadcast_in_dim3A_480 : vector<16xi1>, vector<16xi32>
        tpu.vector_store_idx %arg7[%add3A_821], %select_n3A_822 : memref<16384xi32, #tpu.memory_space<vmem>>[vector<16xi32>], vector<16xi32>,
        %add3A_823 = arith.constant 23 : i32
        %add3A_824 = vector.broadcast %add3A_823 : i32 to vector<16xi32>
        %add3A_825 = arith.addi %mul3A_31, %add3A_824 : vector<16xi32>
        %gather3A_826 = tpu.vector_load_idx %arg5[%add3A_825] : memref<16384xf32, #tpu.memory_space<vmem>>[vector<16xi32>], vector<16xf32>,
        %ge3A_827 = arith.cmpf oge, %gather3A_826, %max3A_475 : vector<16xf32>
        %add3A_828 = arith.constant 23 : i32
        %add3A_829 = vector.broadcast %add3A_828 : i32 to vector<16xi32>
        %add3A_830 = arith.addi %mul3A_31, %add3A_829 : vector<16xi32>
        %jit3A_831 = arith.constant 0.000000e+00 : f32
        %broadcast_in_dim3A_832 = vector.broadcast %jit3A_831 : f32 to vector<16xf32>
        %select_n3A_833 = arith.select %ge3A_827, %gather3A_826, %broadcast_in_dim3A_832 : vector<16xi1>, vector<16xf32>
        tpu.vector_store_idx %arg6[%add3A_830], %select_n3A_833 : memref<16384xf32, #tpu.memory_space<vmem>>[vector<16xi32>], vector<16xf32>,
        %add3A_834 = arith.constant 23 : i32
        %add3A_835 = vector.broadcast %add3A_834 : i32 to vector<16xi32>
        %add3A_836 = arith.addi %mul3A_31, %add3A_835 : vector<16xi32>
        %select_n3A_837 = arith.select %ge3A_827, %broadcast_in_dim3A_478, %broadcast_in_dim3A_480 : vector<16xi1>, vector<16xi32>
        tpu.vector_store_idx %arg7[%add3A_836], %select_n3A_837 : memref<16384xi32, #tpu.memory_space<vmem>>[vector<16xi32>], vector<16xi32>,
        %add3A_838 = arith.constant 24 : i32
        %add3A_839 = vector.broadcast %add3A_838 : i32 to vector<16xi32>
        %add3A_840 = arith.addi %mul3A_31, %add3A_839 : vector<16xi32>
        %gather3A_841 = tpu.vector_load_idx %arg5[%add3A_840] : memref<16384xf32, #tpu.memory_space<vmem>>[vector<16xi32>], vector<16xf32>,
        %ge3A_842 = arith.cmpf oge, %gather3A_841, %max3A_475 : vector<16xf32>
        %add3A_843 = arith.constant 24 : i32
        %add3A_844 = vector.broadcast %add3A_843 : i32 to vector<16xi32>
        %add3A_845 = arith.addi %mul3A_31, %add3A_844 : vector<16xi32>
        %jit3A_846 = arith.constant 0.000000e+00 : f32
        %broadcast_in_dim3A_847 = vector.broadcast %jit3A_846 : f32 to vector<16xf32>
        %select_n3A_848 = arith.select %ge3A_842, %gather3A_841, %broadcast_in_dim3A_847 : vector<16xi1>, vector<16xf32>
        tpu.vector_store_idx %arg6[%add3A_845], %select_n3A_848 : memref<16384xf32, #tpu.memory_space<vmem>>[vector<16xi32>], vector<16xf32>,
        %add3A_849 = arith.constant 24 : i32
        %add3A_850 = vector.broadcast %add3A_849 : i32 to vector<16xi32>
        %add3A_851 = arith.addi %mul3A_31, %add3A_850 : vector<16xi32>
        %select_n3A_852 = arith.select %ge3A_842, %broadcast_in_dim3A_478, %broadcast_in_dim3A_480 : vector<16xi1>, vector<16xi32>
        tpu.vector_store_idx %arg7[%add3A_851], %select_n3A_852 : memref<16384xi32, #tpu.memory_space<vmem>>[vector<16xi32>], vector<16xi32>,
        %add3A_853 = arith.constant 25 : i32
        %add3A_854 = vector.broadcast %add3A_853 : i32 to vector<16xi32>
        %add3A_855 = arith.addi %mul3A_31, %add3A_854 : vector<16xi32>
        %gather3A_856 = tpu.vector_load_idx %arg5[%add3A_855] : memref<16384xf32, #tpu.memory_space<vmem>>[vector<16xi32>], vector<16xf32>,
        %ge3A_857 = arith.cmpf oge, %gather3A_856, %max3A_475 : vector<16xf32>
        %add3A_858 = arith.constant 25 : i32
        %add3A_859 = vector.broadcast %add3A_858 : i32 to vector<16xi32>
        %add3A_860 = arith.addi %mul3A_31, %add3A_859 : vector<16xi32>
        %jit3A_861 = arith.constant 0.000000e+00 : f32
        %broadcast_in_dim3A_862 = vector.broadcast %jit3A_861 : f32 to vector<16xf32>
        %select_n3A_863 = arith.select %ge3A_857, %gather3A_856, %broadcast_in_dim3A_862 : vector<16xi1>, vector<16xf32>
        tpu.vector_store_idx %arg6[%add3A_860], %select_n3A_863 : memref<16384xf32, #tpu.memory_space<vmem>>[vector<16xi32>], vector<16xf32>,
        %add3A_864 = arith.constant 25 : i32
        %add3A_865 = vector.broadcast %add3A_864 : i32 to vector<16xi32>
        %add3A_866 = arith.addi %mul3A_31, %add3A_865 : vector<16xi32>
        %select_n3A_867 = arith.select %ge3A_857, %broadcast_in_dim3A_478, %broadcast_in_dim3A_480 : vector<16xi1>, vector<16xi32>
        tpu.vector_store_idx %arg7[%add3A_866], %select_n3A_867 : memref<16384xi32, #tpu.memory_space<vmem>>[vector<16xi32>], vector<16xi32>,
        %add3A_868 = arith.constant 26 : i32
        %add3A_869 = vector.broadcast %add3A_868 : i32 to vector<16xi32>
        %add3A_870 = arith.addi %mul3A_31, %add3A_869 : vector<16xi32>
        %gather3A_871 = tpu.vector_load_idx %arg5[%add3A_870] : memref<16384xf32, #tpu.memory_space<vmem>>[vector<16xi32>], vector<16xf32>,
        %ge3A_872 = arith.cmpf oge, %gather3A_871, %max3A_475 : vector<16xf32>
        %add3A_873 = arith.constant 26 : i32
        %add3A_874 = vector.broadcast %add3A_873 : i32 to vector<16xi32>
        %add3A_875 = arith.addi %mul3A_31, %add3A_874 : vector<16xi32>
        %jit3A_876 = arith.constant 0.000000e+00 : f32
        %broadcast_in_dim3A_877 = vector.broadcast %jit3A_876 : f32 to vector<16xf32>
        %select_n3A_878 = arith.select %ge3A_872, %gather3A_871, %broadcast_in_dim3A_877 : vector<16xi1>, vector<16xf32>
        tpu.vector_store_idx %arg6[%add3A_875], %select_n3A_878 : memref<16384xf32, #tpu.memory_space<vmem>>[vector<16xi32>], vector<16xf32>,
        %add3A_879 = arith.constant 26 : i32
        %add3A_880 = vector.broadcast %add3A_879 : i32 to vector<16xi32>
        %add3A_881 = arith.addi %mul3A_31, %add3A_880 : vector<16xi32>
        %select_n3A_882 = arith.select %ge3A_872, %broadcast_in_dim3A_478, %broadcast_in_dim3A_480 : vector<16xi1>, vector<16xi32>
        tpu.vector_store_idx %arg7[%add3A_881], %select_n3A_882 : memref<16384xi32, #tpu.memory_space<vmem>>[vector<16xi32>], vector<16xi32>,
        %add3A_883 = arith.constant 27 : i32
        %add3A_884 = vector.broadcast %add3A_883 : i32 to vector<16xi32>
        %add3A_885 = arith.addi %mul3A_31, %add3A_884 : vector<16xi32>
        %gather3A_886 = tpu.vector_load_idx %arg5[%add3A_885] : memref<16384xf32, #tpu.memory_space<vmem>>[vector<16xi32>], vector<16xf32>,
        %ge3A_887 = arith.cmpf oge, %gather3A_886, %max3A_475 : vector<16xf32>
        %add3A_888 = arith.constant 27 : i32
        %add3A_889 = vector.broadcast %add3A_888 : i32 to vector<16xi32>
        %add3A_890 = arith.addi %mul3A_31, %add3A_889 : vector<16xi32>
        %jit3A_891 = arith.constant 0.000000e+00 : f32
        %broadcast_in_dim3A_892 = vector.broadcast %jit3A_891 : f32 to vector<16xf32>
        %select_n3A_893 = arith.select %ge3A_887, %gather3A_886, %broadcast_in_dim3A_892 : vector<16xi1>, vector<16xf32>
        tpu.vector_store_idx %arg6[%add3A_890], %select_n3A_893 : memref<16384xf32, #tpu.memory_space<vmem>>[vector<16xi32>], vector<16xf32>,
        %add3A_894 = arith.constant 27 : i32
        %add3A_895 = vector.broadcast %add3A_894 : i32 to vector<16xi32>
        %add3A_896 = arith.addi %mul3A_31, %add3A_895 : vector<16xi32>
        %select_n3A_897 = arith.select %ge3A_887, %broadcast_in_dim3A_478, %broadcast_in_dim3A_480 : vector<16xi1>, vector<16xi32>
        tpu.vector_store_idx %arg7[%add3A_896], %select_n3A_897 : memref<16384xi32, #tpu.memory_space<vmem>>[vector<16xi32>], vector<16xi32>,
        %add3A_898 = arith.constant 28 : i32
        %add3A_899 = vector.broadcast %add3A_898 : i32 to vector<16xi32>
        %add3A_900 = arith.addi %mul3A_31, %add3A_899 : vector<16xi32>
        %gather3A_901 = tpu.vector_load_idx %arg5[%add3A_900] : memref<16384xf32, #tpu.memory_space<vmem>>[vector<16xi32>], vector<16xf32>,
        %ge3A_902 = arith.cmpf oge, %gather3A_901, %max3A_475 : vector<16xf32>
        %add3A_903 = arith.constant 28 : i32
        %add3A_904 = vector.broadcast %add3A_903 : i32 to vector<16xi32>
        %add3A_905 = arith.addi %mul3A_31, %add3A_904 : vector<16xi32>
        %jit3A_906 = arith.constant 0.000000e+00 : f32
        %broadcast_in_dim3A_907 = vector.broadcast %jit3A_906 : f32 to vector<16xf32>
        %select_n3A_908 = arith.select %ge3A_902, %gather3A_901, %broadcast_in_dim3A_907 : vector<16xi1>, vector<16xf32>
        tpu.vector_store_idx %arg6[%add3A_905], %select_n3A_908 : memref<16384xf32, #tpu.memory_space<vmem>>[vector<16xi32>], vector<16xf32>,
        %add3A_909 = arith.constant 28 : i32
        %add3A_910 = vector.broadcast %add3A_909 : i32 to vector<16xi32>
        %add3A_911 = arith.addi %mul3A_31, %add3A_910 : vector<16xi32>
        %select_n3A_912 = arith.select %ge3A_902, %broadcast_in_dim3A_478, %broadcast_in_dim3A_480 : vector<16xi1>, vector<16xi32>
        tpu.vector_store_idx %arg7[%add3A_911], %select_n3A_912 : memref<16384xi32, #tpu.memory_space<vmem>>[vector<16xi32>], vector<16xi32>,
        %add3A_913 = arith.constant 29 : i32
        %add3A_914 = vector.broadcast %add3A_913 : i32 to vector<16xi32>
        %add3A_915 = arith.addi %mul3A_31, %add3A_914 : vector<16xi32>
        %gather3A_916 = tpu.vector_load_idx %arg5[%add3A_915] : memref<16384xf32, #tpu.memory_space<vmem>>[vector<16xi32>], vector<16xf32>,
        %ge3A_917 = arith.cmpf oge, %gather3A_916, %max3A_475 : vector<16xf32>
        %add3A_918 = arith.constant 29 : i32
        %add3A_919 = vector.broadcast %add3A_918 : i32 to vector<16xi32>
        %add3A_920 = arith.addi %mul3A_31, %add3A_919 : vector<16xi32>
        %jit3A_921 = arith.constant 0.000000e+00 : f32
        %broadcast_in_dim3A_922 = vector.broadcast %jit3A_921 : f32 to vector<16xf32>
        %select_n3A_923 = arith.select %ge3A_917, %gather3A_916, %broadcast_in_dim3A_922 : vector<16xi1>, vector<16xf32>
        tpu.vector_store_idx %arg6[%add3A_920], %select_n3A_923 : memref<16384xf32, #tpu.memory_space<vmem>>[vector<16xi32>], vector<16xf32>,
        %add3A_924 = arith.constant 29 : i32
        %add3A_925 = vector.broadcast %add3A_924 : i32 to vector<16xi32>
        %add3A_926 = arith.addi %mul3A_31, %add3A_925 : vector<16xi32>
        %select_n3A_927 = arith.select %ge3A_917, %broadcast_in_dim3A_478, %broadcast_in_dim3A_480 : vector<16xi1>, vector<16xi32>
        tpu.vector_store_idx %arg7[%add3A_926], %select_n3A_927 : memref<16384xi32, #tpu.memory_space<vmem>>[vector<16xi32>], vector<16xi32>,
        %add3A_928 = arith.constant 30 : i32
        %add3A_929 = vector.broadcast %add3A_928 : i32 to vector<16xi32>
        %add3A_930 = arith.addi %mul3A_31, %add3A_929 : vector<16xi32>
        %gather3A_931 = tpu.vector_load_idx %arg5[%add3A_930] : memref<16384xf32, #tpu.memory_space<vmem>>[vector<16xi32>], vector<16xf32>,
        %ge3A_932 = arith.cmpf oge, %gather3A_931, %max3A_475 : vector<16xf32>
        %add3A_933 = arith.constant 30 : i32
        %add3A_934 = vector.broadcast %add3A_933 : i32 to vector<16xi32>
        %add3A_935 = arith.addi %mul3A_31, %add3A_934 : vector<16xi32>
        %jit3A_936 = arith.constant 0.000000e+00 : f32
        %broadcast_in_dim3A_937 = vector.broadcast %jit3A_936 : f32 to vector<16xf32>
        %select_n3A_938 = arith.select %ge3A_932, %gather3A_931, %broadcast_in_dim3A_937 : vector<16xi1>, vector<16xf32>
        tpu.vector_store_idx %arg6[%add3A_935], %select_n3A_938 : memref<16384xf32, #tpu.memory_space<vmem>>[vector<16xi32>], vector<16xf32>,
        %add3A_939 = arith.constant 30 : i32
        %add3A_940 = vector.broadcast %add3A_939 : i32 to vector<16xi32>
        %add3A_941 = arith.addi %mul3A_31, %add3A_940 : vector<16xi32>
        %select_n3A_942 = arith.select %ge3A_932, %broadcast_in_dim3A_478, %broadcast_in_dim3A_480 : vector<16xi1>, vector<16xi32>
        tpu.vector_store_idx %arg7[%add3A_941], %select_n3A_942 : memref<16384xi32, #tpu.memory_space<vmem>>[vector<16xi32>], vector<16xi32>,
        %add3A_943 = arith.constant 31 : i32
        %add3A_944 = vector.broadcast %add3A_943 : i32 to vector<16xi32>
        %add3A_945 = arith.addi %mul3A_31, %add3A_944 : vector<16xi32>
        %gather3A_946 = tpu.vector_load_idx %arg5[%add3A_945] : memref<16384xf32, #tpu.memory_space<vmem>>[vector<16xi32>], vector<16xf32>,
        %ge3A_947 = arith.cmpf oge, %gather3A_946, %max3A_475 : vector<16xf32>
        %add3A_948 = arith.constant 31 : i32
        %add3A_949 = vector.broadcast %add3A_948 : i32 to vector<16xi32>
        %add3A_950 = arith.addi %mul3A_31, %add3A_949 : vector<16xi32>
        %jit3A_951 = arith.constant 0.000000e+00 : f32
        %broadcast_in_dim3A_952 = vector.broadcast %jit3A_951 : f32 to vector<16xf32>
        %select_n3A_953 = arith.select %ge3A_947, %gather3A_946, %broadcast_in_dim3A_952 : vector<16xi1>, vector<16xf32>
        tpu.vector_store_idx %arg6[%add3A_950], %select_n3A_953 : memref<16384xf32, #tpu.memory_space<vmem>>[vector<16xi32>], vector<16xf32>,
        %add3A_954 = arith.constant 31 : i32
        %add3A_955 = vector.broadcast %add3A_954 : i32 to vector<16xi32>
        %add3A_956 = arith.addi %mul3A_31, %add3A_955 : vector<16xi32>
        %select_n3A_957 = arith.select %ge3A_947, %broadcast_in_dim3A_478, %broadcast_in_dim3A_480 : vector<16xi1>, vector<16xi32>
        tpu.vector_store_idx %arg7[%add3A_956], %select_n3A_957 : memref<16384xi32, #tpu.memory_space<vmem>>[vector<16xi32>], vector<16xi32>,
        %add3A_958 = arith.constant 32 : i32
        %add3A_959 = vector.broadcast %add3A_958 : i32 to vector<16xi32>
        %add3A_960 = arith.addi %mul3A_31, %add3A_959 : vector<16xi32>
        %gather3A_961 = tpu.vector_load_idx %arg5[%add3A_960] : memref<16384xf32, #tpu.memory_space<vmem>>[vector<16xi32>], vector<16xf32>,
        %ge3A_962 = arith.cmpf oge, %gather3A_961, %max3A_475 : vector<16xf32>
        %add3A_963 = arith.constant 32 : i32
        %add3A_964 = vector.broadcast %add3A_963 : i32 to vector<16xi32>
        %add3A_965 = arith.addi %mul3A_31, %add3A_964 : vector<16xi32>
        %jit3A_966 = arith.constant 0.000000e+00 : f32
        %broadcast_in_dim3A_967 = vector.broadcast %jit3A_966 : f32 to vector<16xf32>
        %select_n3A_968 = arith.select %ge3A_962, %gather3A_961, %broadcast_in_dim3A_967 : vector<16xi1>, vector<16xf32>
        tpu.vector_store_idx %arg6[%add3A_965], %select_n3A_968 : memref<16384xf32, #tpu.memory_space<vmem>>[vector<16xi32>], vector<16xf32>,
        %add3A_969 = arith.constant 32 : i32
        %add3A_970 = vector.broadcast %add3A_969 : i32 to vector<16xi32>
        %add3A_971 = arith.addi %mul3A_31, %add3A_970 : vector<16xi32>
        %select_n3A_972 = arith.select %ge3A_962, %broadcast_in_dim3A_478, %broadcast_in_dim3A_480 : vector<16xi1>, vector<16xi32>
        tpu.vector_store_idx %arg7[%add3A_971], %select_n3A_972 : memref<16384xi32, #tpu.memory_space<vmem>>[vector<16xi32>], vector<16xi32>,
        %add3A_973 = arith.constant 33 : i32
        %add3A_974 = vector.broadcast %add3A_973 : i32 to vector<16xi32>
        %add3A_975 = arith.addi %mul3A_31, %add3A_974 : vector<16xi32>
        %gather3A_976 = tpu.vector_load_idx %arg5[%add3A_975] : memref<16384xf32, #tpu.memory_space<vmem>>[vector<16xi32>], vector<16xf32>,
        %ge3A_977 = arith.cmpf oge, %gather3A_976, %max3A_475 : vector<16xf32>
        %add3A_978 = arith.constant 33 : i32
        %add3A_979 = vector.broadcast %add3A_978 : i32 to vector<16xi32>
        %add3A_980 = arith.addi %mul3A_31, %add3A_979 : vector<16xi32>
        %jit3A_981 = arith.constant 0.000000e+00 : f32
        %broadcast_in_dim3A_982 = vector.broadcast %jit3A_981 : f32 to vector<16xf32>
        %select_n3A_983 = arith.select %ge3A_977, %gather3A_976, %broadcast_in_dim3A_982 : vector<16xi1>, vector<16xf32>
        tpu.vector_store_idx %arg6[%add3A_980], %select_n3A_983 : memref<16384xf32, #tpu.memory_space<vmem>>[vector<16xi32>], vector<16xf32>,
        %add3A_984 = arith.constant 33 : i32
        %add3A_985 = vector.broadcast %add3A_984 : i32 to vector<16xi32>
        %add3A_986 = arith.addi %mul3A_31, %add3A_985 : vector<16xi32>
        %select_n3A_987 = arith.select %ge3A_977, %broadcast_in_dim3A_478, %broadcast_in_dim3A_480 : vector<16xi1>, vector<16xi32>
        tpu.vector_store_idx %arg7[%add3A_986], %select_n3A_987 : memref<16384xi32, #tpu.memory_space<vmem>>[vector<16xi32>], vector<16xi32>,
        %add3A_988 = arith.constant 34 : i32
        %add3A_989 = vector.broadcast %add3A_988 : i32 to vector<16xi32>
        %add3A_990 = arith.addi %mul3A_31, %add3A_989 : vector<16xi32>
        %gather3A_991 = tpu.vector_load_idx %arg5[%add3A_990] : memref<16384xf32, #tpu.memory_space<vmem>>[vector<16xi32>], vector<16xf32>,
        %ge3A_992 = arith.cmpf oge, %gather3A_991, %max3A_475 : vector<16xf32>
        %add3A_993 = arith.constant 34 : i32
        %add3A_994 = vector.broadcast %add3A_993 : i32 to vector<16xi32>
        %add3A_995 = arith.addi %mul3A_31, %add3A_994 : vector<16xi32>
        %jit3A_996 = arith.constant 0.000000e+00 : f32
        %broadcast_in_dim3A_997 = vector.broadcast %jit3A_996 : f32 to vector<16xf32>
        %select_n3A_998 = arith.select %ge3A_992, %gather3A_991, %broadcast_in_dim3A_997 : vector<16xi1>, vector<16xf32>
        tpu.vector_store_idx %arg6[%add3A_995], %select_n3A_998 : memref<16384xf32, #tpu.memory_space<vmem>>[vector<16xi32>], vector<16xf32>,
        %add3A_999 = arith.constant 34 : i32
        %add3A_1000 = vector.broadcast %add3A_999 : i32 to vector<16xi32>
        %add3A_1001 = arith.addi %mul3A_31, %add3A_1000 : vector<16xi32>
        %select_n3A_1002 = arith.select %ge3A_992, %broadcast_in_dim3A_478, %broadcast_in_dim3A_480 : vector<16xi1>, vector<16xi32>
        tpu.vector_store_idx %arg7[%add3A_1001], %select_n3A_1002 : memref<16384xi32, #tpu.memory_space<vmem>>[vector<16xi32>], vector<16xi32>,
        %add3A_1003 = arith.constant 35 : i32
        %add3A_1004 = vector.broadcast %add3A_1003 : i32 to vector<16xi32>
        %add3A_1005 = arith.addi %mul3A_31, %add3A_1004 : vector<16xi32>
        %gather3A_1006 = tpu.vector_load_idx %arg5[%add3A_1005] : memref<16384xf32, #tpu.memory_space<vmem>>[vector<16xi32>], vector<16xf32>,
        %ge3A_1007 = arith.cmpf oge, %gather3A_1006, %max3A_475 : vector<16xf32>
        %add3A_1008 = arith.constant 35 : i32
        %add3A_1009 = vector.broadcast %add3A_1008 : i32 to vector<16xi32>
        %add3A_1010 = arith.addi %mul3A_31, %add3A_1009 : vector<16xi32>
        %jit3A_1011 = arith.constant 0.000000e+00 : f32
        %broadcast_in_dim3A_1012 = vector.broadcast %jit3A_1011 : f32 to vector<16xf32>
        %select_n3A_1013 = arith.select %ge3A_1007, %gather3A_1006, %broadcast_in_dim3A_1012 : vector<16xi1>, vector<16xf32>
        tpu.vector_store_idx %arg6[%add3A_1010], %select_n3A_1013 : memref<16384xf32, #tpu.memory_space<vmem>>[vector<16xi32>], vector<16xf32>,
        %add3A_1014 = arith.constant 35 : i32
        %add3A_1015 = vector.broadcast %add3A_1014 : i32 to vector<16xi32>
        %add3A_1016 = arith.addi %mul3A_31, %add3A_1015 : vector<16xi32>
        %select_n3A_1017 = arith.select %ge3A_1007, %broadcast_in_dim3A_478, %broadcast_in_dim3A_480 : vector<16xi1>, vector<16xi32>
        tpu.vector_store_idx %arg7[%add3A_1016], %select_n3A_1017 : memref<16384xi32, #tpu.memory_space<vmem>>[vector<16xi32>], vector<16xi32>,
        %add3A_1018 = arith.constant 36 : i32
        %add3A_1019 = vector.broadcast %add3A_1018 : i32 to vector<16xi32>
        %add3A_1020 = arith.addi %mul3A_31, %add3A_1019 : vector<16xi32>
        %gather3A_1021 = tpu.vector_load_idx %arg5[%add3A_1020] : memref<16384xf32, #tpu.memory_space<vmem>>[vector<16xi32>], vector<16xf32>,
        %ge3A_1022 = arith.cmpf oge, %gather3A_1021, %max3A_475 : vector<16xf32>
        %add3A_1023 = arith.constant 36 : i32
        %add3A_1024 = vector.broadcast %add3A_1023 : i32 to vector<16xi32>
        %add3A_1025 = arith.addi %mul3A_31, %add3A_1024 : vector<16xi32>
        %jit3A_1026 = arith.constant 0.000000e+00 : f32
        %broadcast_in_dim3A_1027 = vector.broadcast %jit3A_1026 : f32 to vector<16xf32>
        %select_n3A_1028 = arith.select %ge3A_1022, %gather3A_1021, %broadcast_in_dim3A_1027 : vector<16xi1>, vector<16xf32>
        tpu.vector_store_idx %arg6[%add3A_1025], %select_n3A_1028 : memref<16384xf32, #tpu.memory_space<vmem>>[vector<16xi32>], vector<16xf32>,
        %add3A_1029 = arith.constant 36 : i32
        %add3A_1030 = vector.broadcast %add3A_1029 : i32 to vector<16xi32>
        %add3A_1031 = arith.addi %mul3A_31, %add3A_1030 : vector<16xi32>
        %select_n3A_1032 = arith.select %ge3A_1022, %broadcast_in_dim3A_478, %broadcast_in_dim3A_480 : vector<16xi1>, vector<16xi32>
        tpu.vector_store_idx %arg7[%add3A_1031], %select_n3A_1032 : memref<16384xi32, #tpu.memory_space<vmem>>[vector<16xi32>], vector<16xi32>,
        %add3A_1033 = arith.constant 37 : i32
        %add3A_1034 = vector.broadcast %add3A_1033 : i32 to vector<16xi32>
        %add3A_1035 = arith.addi %mul3A_31, %add3A_1034 : vector<16xi32>
        %gather3A_1036 = tpu.vector_load_idx %arg5[%add3A_1035] : memref<16384xf32, #tpu.memory_space<vmem>>[vector<16xi32>], vector<16xf32>,
        %ge3A_1037 = arith.cmpf oge, %gather3A_1036, %max3A_475 : vector<16xf32>
        %add3A_1038 = arith.constant 37 : i32
        %add3A_1039 = vector.broadcast %add3A_1038 : i32 to vector<16xi32>
        %add3A_1040 = arith.addi %mul3A_31, %add3A_1039 : vector<16xi32>
        %jit3A_1041 = arith.constant 0.000000e+00 : f32
        %broadcast_in_dim3A_1042 = vector.broadcast %jit3A_1041 : f32 to vector<16xf32>
        %select_n3A_1043 = arith.select %ge3A_1037, %gather3A_1036, %broadcast_in_dim3A_1042 : vector<16xi1>, vector<16xf32>
        tpu.vector_store_idx %arg6[%add3A_1040], %select_n3A_1043 : memref<16384xf32, #tpu.memory_space<vmem>>[vector<16xi32>], vector<16xf32>,
        %add3A_1044 = arith.constant 37 : i32
        %add3A_1045 = vector.broadcast %add3A_1044 : i32 to vector<16xi32>
        %add3A_1046 = arith.addi %mul3A_31, %add3A_1045 : vector<16xi32>
        %select_n3A_1047 = arith.select %ge3A_1037, %broadcast_in_dim3A_478, %broadcast_in_dim3A_480 : vector<16xi1>, vector<16xi32>
        tpu.vector_store_idx %arg7[%add3A_1046], %select_n3A_1047 : memref<16384xi32, #tpu.memory_space<vmem>>[vector<16xi32>], vector<16xi32>,
        %add3A_1048 = arith.constant 38 : i32
        %add3A_1049 = vector.broadcast %add3A_1048 : i32 to vector<16xi32>
        %add3A_1050 = arith.addi %mul3A_31, %add3A_1049 : vector<16xi32>
        %gather3A_1051 = tpu.vector_load_idx %arg5[%add3A_1050] : memref<16384xf32, #tpu.memory_space<vmem>>[vector<16xi32>], vector<16xf32>,
        %ge3A_1052 = arith.cmpf oge, %gather3A_1051, %max3A_475 : vector<16xf32>
        %add3A_1053 = arith.constant 38 : i32
        %add3A_1054 = vector.broadcast %add3A_1053 : i32 to vector<16xi32>
        %add3A_1055 = arith.addi %mul3A_31, %add3A_1054 : vector<16xi32>
        %jit3A_1056 = arith.constant 0.000000e+00 : f32
        %broadcast_in_dim3A_1057 = vector.broadcast %jit3A_1056 : f32 to vector<16xf32>
        %select_n3A_1058 = arith.select %ge3A_1052, %gather3A_1051, %broadcast_in_dim3A_1057 : vector<16xi1>, vector<16xf32>
        tpu.vector_store_idx %arg6[%add3A_1055], %select_n3A_1058 : memref<16384xf32, #tpu.memory_space<vmem>>[vector<16xi32>], vector<16xf32>,
        %add3A_1059 = arith.constant 38 : i32
        %add3A_1060 = vector.broadcast %add3A_1059 : i32 to vector<16xi32>
        %add3A_1061 = arith.addi %mul3A_31, %add3A_1060 : vector<16xi32>
        %select_n3A_1062 = arith.select %ge3A_1052, %broadcast_in_dim3A_478, %broadcast_in_dim3A_480 : vector<16xi1>, vector<16xi32>
        tpu.vector_store_idx %arg7[%add3A_1061], %select_n3A_1062 : memref<16384xi32, #tpu.memory_space<vmem>>[vector<16xi32>], vector<16xi32>,
        %add3A_1063 = arith.constant 39 : i32
        %add3A_1064 = vector.broadcast %add3A_1063 : i32 to vector<16xi32>
        %add3A_1065 = arith.addi %mul3A_31, %add3A_1064 : vector<16xi32>
        %gather3A_1066 = tpu.vector_load_idx %arg5[%add3A_1065] : memref<16384xf32, #tpu.memory_space<vmem>>[vector<16xi32>], vector<16xf32>,
        %ge3A_1067 = arith.cmpf oge, %gather3A_1066, %max3A_475 : vector<16xf32>
        %add3A_1068 = arith.constant 39 : i32
        %add3A_1069 = vector.broadcast %add3A_1068 : i32 to vector<16xi32>
        %add3A_1070 = arith.addi %mul3A_31, %add3A_1069 : vector<16xi32>
        %jit3A_1071 = arith.constant 0.000000e+00 : f32
        %broadcast_in_dim3A_1072 = vector.broadcast %jit3A_1071 : f32 to vector<16xf32>
        %select_n3A_1073 = arith.select %ge3A_1067, %gather3A_1066, %broadcast_in_dim3A_1072 : vector<16xi1>, vector<16xf32>
        tpu.vector_store_idx %arg6[%add3A_1070], %select_n3A_1073 : memref<16384xf32, #tpu.memory_space<vmem>>[vector<16xi32>], vector<16xf32>,
        %add3A_1074 = arith.constant 39 : i32
        %add3A_1075 = vector.broadcast %add3A_1074 : i32 to vector<16xi32>
        %add3A_1076 = arith.addi %mul3A_31, %add3A_1075 : vector<16xi32>
        %select_n3A_1077 = arith.select %ge3A_1067, %broadcast_in_dim3A_478, %broadcast_in_dim3A_480 : vector<16xi1>, vector<16xi32>
        tpu.vector_store_idx %arg7[%add3A_1076], %select_n3A_1077 : memref<16384xi32, #tpu.memory_space<vmem>>[vector<16xi32>], vector<16xi32>,
        %add3A_1078 = arith.constant 40 : i32
        %add3A_1079 = vector.broadcast %add3A_1078 : i32 to vector<16xi32>
        %add3A_1080 = arith.addi %mul3A_31, %add3A_1079 : vector<16xi32>
        %gather3A_1081 = tpu.vector_load_idx %arg5[%add3A_1080] : memref<16384xf32, #tpu.memory_space<vmem>>[vector<16xi32>], vector<16xf32>,
        %ge3A_1082 = arith.cmpf oge, %gather3A_1081, %max3A_475 : vector<16xf32>
        %add3A_1083 = arith.constant 40 : i32
        %add3A_1084 = vector.broadcast %add3A_1083 : i32 to vector<16xi32>
        %add3A_1085 = arith.addi %mul3A_31, %add3A_1084 : vector<16xi32>
        %jit3A_1086 = arith.constant 0.000000e+00 : f32
        %broadcast_in_dim3A_1087 = vector.broadcast %jit3A_1086 : f32 to vector<16xf32>
        %select_n3A_1088 = arith.select %ge3A_1082, %gather3A_1081, %broadcast_in_dim3A_1087 : vector<16xi1>, vector<16xf32>
        tpu.vector_store_idx %arg6[%add3A_1085], %select_n3A_1088 : memref<16384xf32, #tpu.memory_space<vmem>>[vector<16xi32>], vector<16xf32>,
        %add3A_1089 = arith.constant 40 : i32
        %add3A_1090 = vector.broadcast %add3A_1089 : i32 to vector<16xi32>
        %add3A_1091 = arith.addi %mul3A_31, %add3A_1090 : vector<16xi32>
        %select_n3A_1092 = arith.select %ge3A_1082, %broadcast_in_dim3A_478, %broadcast_in_dim3A_480 : vector<16xi1>, vector<16xi32>
        tpu.vector_store_idx %arg7[%add3A_1091], %select_n3A_1092 : memref<16384xi32, #tpu.memory_space<vmem>>[vector<16xi32>], vector<16xi32>,
        %add3A_1093 = arith.constant 41 : i32
        %add3A_1094 = vector.broadcast %add3A_1093 : i32 to vector<16xi32>
        %add3A_1095 = arith.addi %mul3A_31, %add3A_1094 : vector<16xi32>
        %gather3A_1096 = tpu.vector_load_idx %arg5[%add3A_1095] : memref<16384xf32, #tpu.memory_space<vmem>>[vector<16xi32>], vector<16xf32>,
        %ge3A_1097 = arith.cmpf oge, %gather3A_1096, %max3A_475 : vector<16xf32>
        %add3A_1098 = arith.constant 41 : i32
        %add3A_1099 = vector.broadcast %add3A_1098 : i32 to vector<16xi32>
        %add3A_1100 = arith.addi %mul3A_31, %add3A_1099 : vector<16xi32>
        %jit3A_1101 = arith.constant 0.000000e+00 : f32
        %broadcast_in_dim3A_1102 = vector.broadcast %jit3A_1101 : f32 to vector<16xf32>
        %select_n3A_1103 = arith.select %ge3A_1097, %gather3A_1096, %broadcast_in_dim3A_1102 : vector<16xi1>, vector<16xf32>
        tpu.vector_store_idx %arg6[%add3A_1100], %select_n3A_1103 : memref<16384xf32, #tpu.memory_space<vmem>>[vector<16xi32>], vector<16xf32>,
        %add3A_1104 = arith.constant 41 : i32
        %add3A_1105 = vector.broadcast %add3A_1104 : i32 to vector<16xi32>
        %add3A_1106 = arith.addi %mul3A_31, %add3A_1105 : vector<16xi32>
        %select_n3A_1107 = arith.select %ge3A_1097, %broadcast_in_dim3A_478, %broadcast_in_dim3A_480 : vector<16xi1>, vector<16xi32>
        tpu.vector_store_idx %arg7[%add3A_1106], %select_n3A_1107 : memref<16384xi32, #tpu.memory_space<vmem>>[vector<16xi32>], vector<16xi32>,
        %add3A_1108 = arith.constant 42 : i32
        %add3A_1109 = vector.broadcast %add3A_1108 : i32 to vector<16xi32>
        %add3A_1110 = arith.addi %mul3A_31, %add3A_1109 : vector<16xi32>
        %gather3A_1111 = tpu.vector_load_idx %arg5[%add3A_1110] : memref<16384xf32, #tpu.memory_space<vmem>>[vector<16xi32>], vector<16xf32>,
        %ge3A_1112 = arith.cmpf oge, %gather3A_1111, %max3A_475 : vector<16xf32>
        %add3A_1113 = arith.constant 42 : i32
        %add3A_1114 = vector.broadcast %add3A_1113 : i32 to vector<16xi32>
        %add3A_1115 = arith.addi %mul3A_31, %add3A_1114 : vector<16xi32>
        %jit3A_1116 = arith.constant 0.000000e+00 : f32
        %broadcast_in_dim3A_1117 = vector.broadcast %jit3A_1116 : f32 to vector<16xf32>
        %select_n3A_1118 = arith.select %ge3A_1112, %gather3A_1111, %broadcast_in_dim3A_1117 : vector<16xi1>, vector<16xf32>
        tpu.vector_store_idx %arg6[%add3A_1115], %select_n3A_1118 : memref<16384xf32, #tpu.memory_space<vmem>>[vector<16xi32>], vector<16xf32>,
        %add3A_1119 = arith.constant 42 : i32
        %add3A_1120 = vector.broadcast %add3A_1119 : i32 to vector<16xi32>
        %add3A_1121 = arith.addi %mul3A_31, %add3A_1120 : vector<16xi32>
        %select_n3A_1122 = arith.select %ge3A_1112, %broadcast_in_dim3A_478, %broadcast_in_dim3A_480 : vector<16xi1>, vector<16xi32>
        tpu.vector_store_idx %arg7[%add3A_1121], %select_n3A_1122 : memref<16384xi32, #tpu.memory_space<vmem>>[vector<16xi32>], vector<16xi32>,
        %add3A_1123 = arith.constant 43 : i32
        %add3A_1124 = vector.broadcast %add3A_1123 : i32 to vector<16xi32>
        %add3A_1125 = arith.addi %mul3A_31, %add3A_1124 : vector<16xi32>
        %gather3A_1126 = tpu.vector_load_idx %arg5[%add3A_1125] : memref<16384xf32, #tpu.memory_space<vmem>>[vector<16xi32>], vector<16xf32>,
        %ge3A_1127 = arith.cmpf oge, %gather3A_1126, %max3A_475 : vector<16xf32>
        %add3A_1128 = arith.constant 43 : i32
        %add3A_1129 = vector.broadcast %add3A_1128 : i32 to vector<16xi32>
        %add3A_1130 = arith.addi %mul3A_31, %add3A_1129 : vector<16xi32>
        %jit3A_1131 = arith.constant 0.000000e+00 : f32
        %broadcast_in_dim3A_1132 = vector.broadcast %jit3A_1131 : f32 to vector<16xf32>
        %select_n3A_1133 = arith.select %ge3A_1127, %gather3A_1126, %broadcast_in_dim3A_1132 : vector<16xi1>, vector<16xf32>
        tpu.vector_store_idx %arg6[%add3A_1130], %select_n3A_1133 : memref<16384xf32, #tpu.memory_space<vmem>>[vector<16xi32>], vector<16xf32>,
        %add3A_1134 = arith.constant 43 : i32
        %add3A_1135 = vector.broadcast %add3A_1134 : i32 to vector<16xi32>
        %add3A_1136 = arith.addi %mul3A_31, %add3A_1135 : vector<16xi32>
        %select_n3A_1137 = arith.select %ge3A_1127, %broadcast_in_dim3A_478, %broadcast_in_dim3A_480 : vector<16xi1>, vector<16xi32>
        tpu.vector_store_idx %arg7[%add3A_1136], %select_n3A_1137 : memref<16384xi32, #tpu.memory_space<vmem>>[vector<16xi32>], vector<16xi32>,
        %add3A_1138 = arith.constant 44 : i32
        %add3A_1139 = vector.broadcast %add3A_1138 : i32 to vector<16xi32>
        %add3A_1140 = arith.addi %mul3A_31, %add3A_1139 : vector<16xi32>
        %gather3A_1141 = tpu.vector_load_idx %arg5[%add3A_1140] : memref<16384xf32, #tpu.memory_space<vmem>>[vector<16xi32>], vector<16xf32>,
        %ge3A_1142 = arith.cmpf oge, %gather3A_1141, %max3A_475 : vector<16xf32>
        %add3A_1143 = arith.constant 44 : i32
        %add3A_1144 = vector.broadcast %add3A_1143 : i32 to vector<16xi32>
        %add3A_1145 = arith.addi %mul3A_31, %add3A_1144 : vector<16xi32>
        %jit3A_1146 = arith.constant 0.000000e+00 : f32
        %broadcast_in_dim3A_1147 = vector.broadcast %jit3A_1146 : f32 to vector<16xf32>
        %select_n3A_1148 = arith.select %ge3A_1142, %gather3A_1141, %broadcast_in_dim3A_1147 : vector<16xi1>, vector<16xf32>
        tpu.vector_store_idx %arg6[%add3A_1145], %select_n3A_1148 : memref<16384xf32, #tpu.memory_space<vmem>>[vector<16xi32>], vector<16xf32>,
        %add3A_1149 = arith.constant 44 : i32
        %add3A_1150 = vector.broadcast %add3A_1149 : i32 to vector<16xi32>
        %add3A_1151 = arith.addi %mul3A_31, %add3A_1150 : vector<16xi32>
        %select_n3A_1152 = arith.select %ge3A_1142, %broadcast_in_dim3A_478, %broadcast_in_dim3A_480 : vector<16xi1>, vector<16xi32>
        tpu.vector_store_idx %arg7[%add3A_1151], %select_n3A_1152 : memref<16384xi32, #tpu.memory_space<vmem>>[vector<16xi32>], vector<16xi32>,
        %add3A_1153 = arith.constant 45 : i32
        %add3A_1154 = vector.broadcast %add3A_1153 : i32 to vector<16xi32>
        %add3A_1155 = arith.addi %mul3A_31, %add3A_1154 : vector<16xi32>
        %gather3A_1156 = tpu.vector_load_idx %arg5[%add3A_1155] : memref<16384xf32, #tpu.memory_space<vmem>>[vector<16xi32>], vector<16xf32>,
        %ge3A_1157 = arith.cmpf oge, %gather3A_1156, %max3A_475 : vector<16xf32>
        %add3A_1158 = arith.constant 45 : i32
        %add3A_1159 = vector.broadcast %add3A_1158 : i32 to vector<16xi32>
        %add3A_1160 = arith.addi %mul3A_31, %add3A_1159 : vector<16xi32>
        %jit3A_1161 = arith.constant 0.000000e+00 : f32
        %broadcast_in_dim3A_1162 = vector.broadcast %jit3A_1161 : f32 to vector<16xf32>
        %select_n3A_1163 = arith.select %ge3A_1157, %gather3A_1156, %broadcast_in_dim3A_1162 : vector<16xi1>, vector<16xf32>
        tpu.vector_store_idx %arg6[%add3A_1160], %select_n3A_1163 : memref<16384xf32, #tpu.memory_space<vmem>>[vector<16xi32>], vector<16xf32>,
        %add3A_1164 = arith.constant 45 : i32
        %add3A_1165 = vector.broadcast %add3A_1164 : i32 to vector<16xi32>
        %add3A_1166 = arith.addi %mul3A_31, %add3A_1165 : vector<16xi32>
        %select_n3A_1167 = arith.select %ge3A_1157, %broadcast_in_dim3A_478, %broadcast_in_dim3A_480 : vector<16xi1>, vector<16xi32>
        tpu.vector_store_idx %arg7[%add3A_1166], %select_n3A_1167 : memref<16384xi32, #tpu.memory_space<vmem>>[vector<16xi32>], vector<16xi32>,
        %add3A_1168 = arith.constant 46 : i32
        %add3A_1169 = vector.broadcast %add3A_1168 : i32 to vector<16xi32>
        %add3A_1170 = arith.addi %mul3A_31, %add3A_1169 : vector<16xi32>
        %gather3A_1171 = tpu.vector_load_idx %arg5[%add3A_1170] : memref<16384xf32, #tpu.memory_space<vmem>>[vector<16xi32>], vector<16xf32>,
        %ge3A_1172 = arith.cmpf oge, %gather3A_1171, %max3A_475 : vector<16xf32>
        %add3A_1173 = arith.constant 46 : i32
        %add3A_1174 = vector.broadcast %add3A_1173 : i32 to vector<16xi32>
        %add3A_1175 = arith.addi %mul3A_31, %add3A_1174 : vector<16xi32>
        %jit3A_1176 = arith.constant 0.000000e+00 : f32
        %broadcast_in_dim3A_1177 = vector.broadcast %jit3A_1176 : f32 to vector<16xf32>
        %select_n3A_1178 = arith.select %ge3A_1172, %gather3A_1171, %broadcast_in_dim3A_1177 : vector<16xi1>, vector<16xf32>
        tpu.vector_store_idx %arg6[%add3A_1175], %select_n3A_1178 : memref<16384xf32, #tpu.memory_space<vmem>>[vector<16xi32>], vector<16xf32>,
        %add3A_1179 = arith.constant 46 : i32
        %add3A_1180 = vector.broadcast %add3A_1179 : i32 to vector<16xi32>
        %add3A_1181 = arith.addi %mul3A_31, %add3A_1180 : vector<16xi32>
        %select_n3A_1182 = arith.select %ge3A_1172, %broadcast_in_dim3A_478, %broadcast_in_dim3A_480 : vector<16xi1>, vector<16xi32>
        tpu.vector_store_idx %arg7[%add3A_1181], %select_n3A_1182 : memref<16384xi32, #tpu.memory_space<vmem>>[vector<16xi32>], vector<16xi32>,
        %add3A_1183 = arith.constant 47 : i32
        %add3A_1184 = vector.broadcast %add3A_1183 : i32 to vector<16xi32>
        %add3A_1185 = arith.addi %mul3A_31, %add3A_1184 : vector<16xi32>
        %gather3A_1186 = tpu.vector_load_idx %arg5[%add3A_1185] : memref<16384xf32, #tpu.memory_space<vmem>>[vector<16xi32>], vector<16xf32>,
        %ge3A_1187 = arith.cmpf oge, %gather3A_1186, %max3A_475 : vector<16xf32>
        %add3A_1188 = arith.constant 47 : i32
        %add3A_1189 = vector.broadcast %add3A_1188 : i32 to vector<16xi32>
        %add3A_1190 = arith.addi %mul3A_31, %add3A_1189 : vector<16xi32>
        %jit3A_1191 = arith.constant 0.000000e+00 : f32
        %broadcast_in_dim3A_1192 = vector.broadcast %jit3A_1191 : f32 to vector<16xf32>
        %select_n3A_1193 = arith.select %ge3A_1187, %gather3A_1186, %broadcast_in_dim3A_1192 : vector<16xi1>, vector<16xf32>
        tpu.vector_store_idx %arg6[%add3A_1190], %select_n3A_1193 : memref<16384xf32, #tpu.memory_space<vmem>>[vector<16xi32>], vector<16xf32>,
        %add3A_1194 = arith.constant 47 : i32
        %add3A_1195 = vector.broadcast %add3A_1194 : i32 to vector<16xi32>
        %add3A_1196 = arith.addi %mul3A_31, %add3A_1195 : vector<16xi32>
        %select_n3A_1197 = arith.select %ge3A_1187, %broadcast_in_dim3A_478, %broadcast_in_dim3A_480 : vector<16xi1>, vector<16xi32>
        tpu.vector_store_idx %arg7[%add3A_1196], %select_n3A_1197 : memref<16384xi32, #tpu.memory_space<vmem>>[vector<16xi32>], vector<16xi32>,
        %add3A_1198 = arith.constant 48 : i32
        %add3A_1199 = vector.broadcast %add3A_1198 : i32 to vector<16xi32>
        %add3A_1200 = arith.addi %mul3A_31, %add3A_1199 : vector<16xi32>
        %gather3A_1201 = tpu.vector_load_idx %arg5[%add3A_1200] : memref<16384xf32, #tpu.memory_space<vmem>>[vector<16xi32>], vector<16xf32>,
        %ge3A_1202 = arith.cmpf oge, %gather3A_1201, %max3A_475 : vector<16xf32>
        %add3A_1203 = arith.constant 48 : i32
        %add3A_1204 = vector.broadcast %add3A_1203 : i32 to vector<16xi32>
        %add3A_1205 = arith.addi %mul3A_31, %add3A_1204 : vector<16xi32>
        %jit3A_1206 = arith.constant 0.000000e+00 : f32
        %broadcast_in_dim3A_1207 = vector.broadcast %jit3A_1206 : f32 to vector<16xf32>
        %select_n3A_1208 = arith.select %ge3A_1202, %gather3A_1201, %broadcast_in_dim3A_1207 : vector<16xi1>, vector<16xf32>
        tpu.vector_store_idx %arg6[%add3A_1205], %select_n3A_1208 : memref<16384xf32, #tpu.memory_space<vmem>>[vector<16xi32>], vector<16xf32>,
        %add3A_1209 = arith.constant 48 : i32
        %add3A_1210 = vector.broadcast %add3A_1209 : i32 to vector<16xi32>
        %add3A_1211 = arith.addi %mul3A_31, %add3A_1210 : vector<16xi32>
        %select_n3A_1212 = arith.select %ge3A_1202, %broadcast_in_dim3A_478, %broadcast_in_dim3A_480 : vector<16xi1>, vector<16xi32>
        tpu.vector_store_idx %arg7[%add3A_1211], %select_n3A_1212 : memref<16384xi32, #tpu.memory_space<vmem>>[vector<16xi32>], vector<16xi32>,
        %add3A_1213 = arith.constant 49 : i32
        %add3A_1214 = vector.broadcast %add3A_1213 : i32 to vector<16xi32>
        %add3A_1215 = arith.addi %mul3A_31, %add3A_1214 : vector<16xi32>
        %gather3A_1216 = tpu.vector_load_idx %arg5[%add3A_1215] : memref<16384xf32, #tpu.memory_space<vmem>>[vector<16xi32>], vector<16xf32>,
        %ge3A_1217 = arith.cmpf oge, %gather3A_1216, %max3A_475 : vector<16xf32>
        %add3A_1218 = arith.constant 49 : i32
        %add3A_1219 = vector.broadcast %add3A_1218 : i32 to vector<16xi32>
        %add3A_1220 = arith.addi %mul3A_31, %add3A_1219 : vector<16xi32>
        %jit3A_1221 = arith.constant 0.000000e+00 : f32
        %broadcast_in_dim3A_1222 = vector.broadcast %jit3A_1221 : f32 to vector<16xf32>
        %select_n3A_1223 = arith.select %ge3A_1217, %gather3A_1216, %broadcast_in_dim3A_1222 : vector<16xi1>, vector<16xf32>
        tpu.vector_store_idx %arg6[%add3A_1220], %select_n3A_1223 : memref<16384xf32, #tpu.memory_space<vmem>>[vector<16xi32>], vector<16xf32>,
        %add3A_1224 = arith.constant 49 : i32
        %add3A_1225 = vector.broadcast %add3A_1224 : i32 to vector<16xi32>
        %add3A_1226 = arith.addi %mul3A_31, %add3A_1225 : vector<16xi32>
        %select_n3A_1227 = arith.select %ge3A_1217, %broadcast_in_dim3A_478, %broadcast_in_dim3A_480 : vector<16xi1>, vector<16xi32>
        tpu.vector_store_idx %arg7[%add3A_1226], %select_n3A_1227 : memref<16384xi32, #tpu.memory_space<vmem>>[vector<16xi32>], vector<16xi32>,
        %add3A_1228 = arith.constant 50 : i32
        %add3A_1229 = vector.broadcast %add3A_1228 : i32 to vector<16xi32>
        %add3A_1230 = arith.addi %mul3A_31, %add3A_1229 : vector<16xi32>
        %gather3A_1231 = tpu.vector_load_idx %arg5[%add3A_1230] : memref<16384xf32, #tpu.memory_space<vmem>>[vector<16xi32>], vector<16xf32>,
        %ge3A_1232 = arith.cmpf oge, %gather3A_1231, %max3A_475 : vector<16xf32>
        %add3A_1233 = arith.constant 50 : i32
        %add3A_1234 = vector.broadcast %add3A_1233 : i32 to vector<16xi32>
        %add3A_1235 = arith.addi %mul3A_31, %add3A_1234 : vector<16xi32>
        %jit3A_1236 = arith.constant 0.000000e+00 : f32
        %broadcast_in_dim3A_1237 = vector.broadcast %jit3A_1236 : f32 to vector<16xf32>
        %select_n3A_1238 = arith.select %ge3A_1232, %gather3A_1231, %broadcast_in_dim3A_1237 : vector<16xi1>, vector<16xf32>
        tpu.vector_store_idx %arg6[%add3A_1235], %select_n3A_1238 : memref<16384xf32, #tpu.memory_space<vmem>>[vector<16xi32>], vector<16xf32>,
        %add3A_1239 = arith.constant 50 : i32
        %add3A_1240 = vector.broadcast %add3A_1239 : i32 to vector<16xi32>
        %add3A_1241 = arith.addi %mul3A_31, %add3A_1240 : vector<16xi32>
        %select_n3A_1242 = arith.select %ge3A_1232, %broadcast_in_dim3A_478, %broadcast_in_dim3A_480 : vector<16xi1>, vector<16xi32>
        tpu.vector_store_idx %arg7[%add3A_1241], %select_n3A_1242 : memref<16384xi32, #tpu.memory_space<vmem>>[vector<16xi32>], vector<16xi32>,
        %add3A_1243 = arith.constant 51 : i32
        %add3A_1244 = vector.broadcast %add3A_1243 : i32 to vector<16xi32>
        %add3A_1245 = arith.addi %mul3A_31, %add3A_1244 : vector<16xi32>
        %gather3A_1246 = tpu.vector_load_idx %arg5[%add3A_1245] : memref<16384xf32, #tpu.memory_space<vmem>>[vector<16xi32>], vector<16xf32>,
        %ge3A_1247 = arith.cmpf oge, %gather3A_1246, %max3A_475 : vector<16xf32>
        %add3A_1248 = arith.constant 51 : i32
        %add3A_1249 = vector.broadcast %add3A_1248 : i32 to vector<16xi32>
        %add3A_1250 = arith.addi %mul3A_31, %add3A_1249 : vector<16xi32>
        %jit3A_1251 = arith.constant 0.000000e+00 : f32
        %broadcast_in_dim3A_1252 = vector.broadcast %jit3A_1251 : f32 to vector<16xf32>
        %select_n3A_1253 = arith.select %ge3A_1247, %gather3A_1246, %broadcast_in_dim3A_1252 : vector<16xi1>, vector<16xf32>
        tpu.vector_store_idx %arg6[%add3A_1250], %select_n3A_1253 : memref<16384xf32, #tpu.memory_space<vmem>>[vector<16xi32>], vector<16xf32>,
        %add3A_1254 = arith.constant 51 : i32
        %add3A_1255 = vector.broadcast %add3A_1254 : i32 to vector<16xi32>
        %add3A_1256 = arith.addi %mul3A_31, %add3A_1255 : vector<16xi32>
        %select_n3A_1257 = arith.select %ge3A_1247, %broadcast_in_dim3A_478, %broadcast_in_dim3A_480 : vector<16xi1>, vector<16xi32>
        tpu.vector_store_idx %arg7[%add3A_1256], %select_n3A_1257 : memref<16384xi32, #tpu.memory_space<vmem>>[vector<16xi32>], vector<16xi32>,
        %add3A_1258 = arith.constant 52 : i32
        %add3A_1259 = vector.broadcast %add3A_1258 : i32 to vector<16xi32>
        %add3A_1260 = arith.addi %mul3A_31, %add3A_1259 : vector<16xi32>
        %gather3A_1261 = tpu.vector_load_idx %arg5[%add3A_1260] : memref<16384xf32, #tpu.memory_space<vmem>>[vector<16xi32>], vector<16xf32>,
        %ge3A_1262 = arith.cmpf oge, %gather3A_1261, %max3A_475 : vector<16xf32>
        %add3A_1263 = arith.constant 52 : i32
        %add3A_1264 = vector.broadcast %add3A_1263 : i32 to vector<16xi32>
        %add3A_1265 = arith.addi %mul3A_31, %add3A_1264 : vector<16xi32>
        %jit3A_1266 = arith.constant 0.000000e+00 : f32
        %broadcast_in_dim3A_1267 = vector.broadcast %jit3A_1266 : f32 to vector<16xf32>
        %select_n3A_1268 = arith.select %ge3A_1262, %gather3A_1261, %broadcast_in_dim3A_1267 : vector<16xi1>, vector<16xf32>
        tpu.vector_store_idx %arg6[%add3A_1265], %select_n3A_1268 : memref<16384xf32, #tpu.memory_space<vmem>>[vector<16xi32>], vector<16xf32>,
        %add3A_1269 = arith.constant 52 : i32
        %add3A_1270 = vector.broadcast %add3A_1269 : i32 to vector<16xi32>
        %add3A_1271 = arith.addi %mul3A_31, %add3A_1270 : vector<16xi32>
        %select_n3A_1272 = arith.select %ge3A_1262, %broadcast_in_dim3A_478, %broadcast_in_dim3A_480 : vector<16xi1>, vector<16xi32>
        tpu.vector_store_idx %arg7[%add3A_1271], %select_n3A_1272 : memref<16384xi32, #tpu.memory_space<vmem>>[vector<16xi32>], vector<16xi32>,
        %add3A_1273 = arith.constant 53 : i32
        %add3A_1274 = vector.broadcast %add3A_1273 : i32 to vector<16xi32>
        %add3A_1275 = arith.addi %mul3A_31, %add3A_1274 : vector<16xi32>
        %gather3A_1276 = tpu.vector_load_idx %arg5[%add3A_1275] : memref<16384xf32, #tpu.memory_space<vmem>>[vector<16xi32>], vector<16xf32>,
        %ge3A_1277 = arith.cmpf oge, %gather3A_1276, %max3A_475 : vector<16xf32>
        %add3A_1278 = arith.constant 53 : i32
        %add3A_1279 = vector.broadcast %add3A_1278 : i32 to vector<16xi32>
        %add3A_1280 = arith.addi %mul3A_31, %add3A_1279 : vector<16xi32>
        %jit3A_1281 = arith.constant 0.000000e+00 : f32
        %broadcast_in_dim3A_1282 = vector.broadcast %jit3A_1281 : f32 to vector<16xf32>
        %select_n3A_1283 = arith.select %ge3A_1277, %gather3A_1276, %broadcast_in_dim3A_1282 : vector<16xi1>, vector<16xf32>
        tpu.vector_store_idx %arg6[%add3A_1280], %select_n3A_1283 : memref<16384xf32, #tpu.memory_space<vmem>>[vector<16xi32>], vector<16xf32>,
        %add3A_1284 = arith.constant 53 : i32
        %add3A_1285 = vector.broadcast %add3A_1284 : i32 to vector<16xi32>
        %add3A_1286 = arith.addi %mul3A_31, %add3A_1285 : vector<16xi32>
        %select_n3A_1287 = arith.select %ge3A_1277, %broadcast_in_dim3A_478, %broadcast_in_dim3A_480 : vector<16xi1>, vector<16xi32>
        tpu.vector_store_idx %arg7[%add3A_1286], %select_n3A_1287 : memref<16384xi32, #tpu.memory_space<vmem>>[vector<16xi32>], vector<16xi32>,
        %add3A_1288 = arith.constant 54 : i32
        %add3A_1289 = vector.broadcast %add3A_1288 : i32 to vector<16xi32>
        %add3A_1290 = arith.addi %mul3A_31, %add3A_1289 : vector<16xi32>
        %gather3A_1291 = tpu.vector_load_idx %arg5[%add3A_1290] : memref<16384xf32, #tpu.memory_space<vmem>>[vector<16xi32>], vector<16xf32>,
        %ge3A_1292 = arith.cmpf oge, %gather3A_1291, %max3A_475 : vector<16xf32>
        %add3A_1293 = arith.constant 54 : i32
        %add3A_1294 = vector.broadcast %add3A_1293 : i32 to vector<16xi32>
        %add3A_1295 = arith.addi %mul3A_31, %add3A_1294 : vector<16xi32>
        %jit3A_1296 = arith.constant 0.000000e+00 : f32
        %broadcast_in_dim3A_1297 = vector.broadcast %jit3A_1296 : f32 to vector<16xf32>
        %select_n3A_1298 = arith.select %ge3A_1292, %gather3A_1291, %broadcast_in_dim3A_1297 : vector<16xi1>, vector<16xf32>
        tpu.vector_store_idx %arg6[%add3A_1295], %select_n3A_1298 : memref<16384xf32, #tpu.memory_space<vmem>>[vector<16xi32>], vector<16xf32>,
        %add3A_1299 = arith.constant 54 : i32
        %add3A_1300 = vector.broadcast %add3A_1299 : i32 to vector<16xi32>
        %add3A_1301 = arith.addi %mul3A_31, %add3A_1300 : vector<16xi32>
        %select_n3A_1302 = arith.select %ge3A_1292, %broadcast_in_dim3A_478, %broadcast_in_dim3A_480 : vector<16xi1>, vector<16xi32>
        tpu.vector_store_idx %arg7[%add3A_1301], %select_n3A_1302 : memref<16384xi32, #tpu.memory_space<vmem>>[vector<16xi32>], vector<16xi32>,
        %add3A_1303 = arith.constant 55 : i32
        %add3A_1304 = vector.broadcast %add3A_1303 : i32 to vector<16xi32>
        %add3A_1305 = arith.addi %mul3A_31, %add3A_1304 : vector<16xi32>
        %gather3A_1306 = tpu.vector_load_idx %arg5[%add3A_1305] : memref<16384xf32, #tpu.memory_space<vmem>>[vector<16xi32>], vector<16xf32>,
        %ge3A_1307 = arith.cmpf oge, %gather3A_1306, %max3A_475 : vector<16xf32>
        %add3A_1308 = arith.constant 55 : i32
        %add3A_1309 = vector.broadcast %add3A_1308 : i32 to vector<16xi32>
        %add3A_1310 = arith.addi %mul3A_31, %add3A_1309 : vector<16xi32>
        %jit3A_1311 = arith.constant 0.000000e+00 : f32
        %broadcast_in_dim3A_1312 = vector.broadcast %jit3A_1311 : f32 to vector<16xf32>
        %select_n3A_1313 = arith.select %ge3A_1307, %gather3A_1306, %broadcast_in_dim3A_1312 : vector<16xi1>, vector<16xf32>
        tpu.vector_store_idx %arg6[%add3A_1310], %select_n3A_1313 : memref<16384xf32, #tpu.memory_space<vmem>>[vector<16xi32>], vector<16xf32>,
        %add3A_1314 = arith.constant 55 : i32
        %add3A_1315 = vector.broadcast %add3A_1314 : i32 to vector<16xi32>
        %add3A_1316 = arith.addi %mul3A_31, %add3A_1315 : vector<16xi32>
        %select_n3A_1317 = arith.select %ge3A_1307, %broadcast_in_dim3A_478, %broadcast_in_dim3A_480 : vector<16xi1>, vector<16xi32>
        tpu.vector_store_idx %arg7[%add3A_1316], %select_n3A_1317 : memref<16384xi32, #tpu.memory_space<vmem>>[vector<16xi32>], vector<16xi32>,
        %add3A_1318 = arith.constant 56 : i32
        %add3A_1319 = vector.broadcast %add3A_1318 : i32 to vector<16xi32>
        %add3A_1320 = arith.addi %mul3A_31, %add3A_1319 : vector<16xi32>
        %gather3A_1321 = tpu.vector_load_idx %arg5[%add3A_1320] : memref<16384xf32, #tpu.memory_space<vmem>>[vector<16xi32>], vector<16xf32>,
        %ge3A_1322 = arith.cmpf oge, %gather3A_1321, %max3A_475 : vector<16xf32>
        %add3A_1323 = arith.constant 56 : i32
        %add3A_1324 = vector.broadcast %add3A_1323 : i32 to vector<16xi32>
        %add3A_1325 = arith.addi %mul3A_31, %add3A_1324 : vector<16xi32>
        %jit3A_1326 = arith.constant 0.000000e+00 : f32
        %broadcast_in_dim3A_1327 = vector.broadcast %jit3A_1326 : f32 to vector<16xf32>
        %select_n3A_1328 = arith.select %ge3A_1322, %gather3A_1321, %broadcast_in_dim3A_1327 : vector<16xi1>, vector<16xf32>
        tpu.vector_store_idx %arg6[%add3A_1325], %select_n3A_1328 : memref<16384xf32, #tpu.memory_space<vmem>>[vector<16xi32>], vector<16xf32>,
        %add3A_1329 = arith.constant 56 : i32
        %add3A_1330 = vector.broadcast %add3A_1329 : i32 to vector<16xi32>
        %add3A_1331 = arith.addi %mul3A_31, %add3A_1330 : vector<16xi32>
        %select_n3A_1332 = arith.select %ge3A_1322, %broadcast_in_dim3A_478, %broadcast_in_dim3A_480 : vector<16xi1>, vector<16xi32>
        tpu.vector_store_idx %arg7[%add3A_1331], %select_n3A_1332 : memref<16384xi32, #tpu.memory_space<vmem>>[vector<16xi32>], vector<16xi32>,
        %add3A_1333 = arith.constant 57 : i32
        %add3A_1334 = vector.broadcast %add3A_1333 : i32 to vector<16xi32>
        %add3A_1335 = arith.addi %mul3A_31, %add3A_1334 : vector<16xi32>
        %gather3A_1336 = tpu.vector_load_idx %arg5[%add3A_1335] : memref<16384xf32, #tpu.memory_space<vmem>>[vector<16xi32>], vector<16xf32>,
        %ge3A_1337 = arith.cmpf oge, %gather3A_1336, %max3A_475 : vector<16xf32>
        %add3A_1338 = arith.constant 57 : i32
        %add3A_1339 = vector.broadcast %add3A_1338 : i32 to vector<16xi32>
        %add3A_1340 = arith.addi %mul3A_31, %add3A_1339 : vector<16xi32>
        %jit3A_1341 = arith.constant 0.000000e+00 : f32
        %broadcast_in_dim3A_1342 = vector.broadcast %jit3A_1341 : f32 to vector<16xf32>
        %select_n3A_1343 = arith.select %ge3A_1337, %gather3A_1336, %broadcast_in_dim3A_1342 : vector<16xi1>, vector<16xf32>
        tpu.vector_store_idx %arg6[%add3A_1340], %select_n3A_1343 : memref<16384xf32, #tpu.memory_space<vmem>>[vector<16xi32>], vector<16xf32>,
        %add3A_1344 = arith.constant 57 : i32
        %add3A_1345 = vector.broadcast %add3A_1344 : i32 to vector<16xi32>
        %add3A_1346 = arith.addi %mul3A_31, %add3A_1345 : vector<16xi32>
        %select_n3A_1347 = arith.select %ge3A_1337, %broadcast_in_dim3A_478, %broadcast_in_dim3A_480 : vector<16xi1>, vector<16xi32>
        tpu.vector_store_idx %arg7[%add3A_1346], %select_n3A_1347 : memref<16384xi32, #tpu.memory_space<vmem>>[vector<16xi32>], vector<16xi32>,
        %add3A_1348 = arith.constant 58 : i32
        %add3A_1349 = vector.broadcast %add3A_1348 : i32 to vector<16xi32>
        %add3A_1350 = arith.addi %mul3A_31, %add3A_1349 : vector<16xi32>
        %gather3A_1351 = tpu.vector_load_idx %arg5[%add3A_1350] : memref<16384xf32, #tpu.memory_space<vmem>>[vector<16xi32>], vector<16xf32>,
        %ge3A_1352 = arith.cmpf oge, %gather3A_1351, %max3A_475 : vector<16xf32>
        %add3A_1353 = arith.constant 58 : i32
        %add3A_1354 = vector.broadcast %add3A_1353 : i32 to vector<16xi32>
        %add3A_1355 = arith.addi %mul3A_31, %add3A_1354 : vector<16xi32>
        %jit3A_1356 = arith.constant 0.000000e+00 : f32
        %broadcast_in_dim3A_1357 = vector.broadcast %jit3A_1356 : f32 to vector<16xf32>
        %select_n3A_1358 = arith.select %ge3A_1352, %gather3A_1351, %broadcast_in_dim3A_1357 : vector<16xi1>, vector<16xf32>
        tpu.vector_store_idx %arg6[%add3A_1355], %select_n3A_1358 : memref<16384xf32, #tpu.memory_space<vmem>>[vector<16xi32>], vector<16xf32>,
        %add3A_1359 = arith.constant 58 : i32
        %add3A_1360 = vector.broadcast %add3A_1359 : i32 to vector<16xi32>
        %add3A_1361 = arith.addi %mul3A_31, %add3A_1360 : vector<16xi32>
        %select_n3A_1362 = arith.select %ge3A_1352, %broadcast_in_dim3A_478, %broadcast_in_dim3A_480 : vector<16xi1>, vector<16xi32>
        tpu.vector_store_idx %arg7[%add3A_1361], %select_n3A_1362 : memref<16384xi32, #tpu.memory_space<vmem>>[vector<16xi32>], vector<16xi32>,
        %add3A_1363 = arith.constant 59 : i32
        %add3A_1364 = vector.broadcast %add3A_1363 : i32 to vector<16xi32>
        %add3A_1365 = arith.addi %mul3A_31, %add3A_1364 : vector<16xi32>
        %gather3A_1366 = tpu.vector_load_idx %arg5[%add3A_1365] : memref<16384xf32, #tpu.memory_space<vmem>>[vector<16xi32>], vector<16xf32>,
        %ge3A_1367 = arith.cmpf oge, %gather3A_1366, %max3A_475 : vector<16xf32>
        %add3A_1368 = arith.constant 59 : i32
        %add3A_1369 = vector.broadcast %add3A_1368 : i32 to vector<16xi32>
        %add3A_1370 = arith.addi %mul3A_31, %add3A_1369 : vector<16xi32>
        %jit3A_1371 = arith.constant 0.000000e+00 : f32
        %broadcast_in_dim3A_1372 = vector.broadcast %jit3A_1371 : f32 to vector<16xf32>
        %select_n3A_1373 = arith.select %ge3A_1367, %gather3A_1366, %broadcast_in_dim3A_1372 : vector<16xi1>, vector<16xf32>
        tpu.vector_store_idx %arg6[%add3A_1370], %select_n3A_1373 : memref<16384xf32, #tpu.memory_space<vmem>>[vector<16xi32>], vector<16xf32>,
        %add3A_1374 = arith.constant 59 : i32
        %add3A_1375 = vector.broadcast %add3A_1374 : i32 to vector<16xi32>
        %add3A_1376 = arith.addi %mul3A_31, %add3A_1375 : vector<16xi32>
        %select_n3A_1377 = arith.select %ge3A_1367, %broadcast_in_dim3A_478, %broadcast_in_dim3A_480 : vector<16xi1>, vector<16xi32>
        tpu.vector_store_idx %arg7[%add3A_1376], %select_n3A_1377 : memref<16384xi32, #tpu.memory_space<vmem>>[vector<16xi32>], vector<16xi32>,
        %add3A_1378 = arith.constant 60 : i32
        %add3A_1379 = vector.broadcast %add3A_1378 : i32 to vector<16xi32>
        %add3A_1380 = arith.addi %mul3A_31, %add3A_1379 : vector<16xi32>
        %gather3A_1381 = tpu.vector_load_idx %arg5[%add3A_1380] : memref<16384xf32, #tpu.memory_space<vmem>>[vector<16xi32>], vector<16xf32>,
        %ge3A_1382 = arith.cmpf oge, %gather3A_1381, %max3A_475 : vector<16xf32>
        %add3A_1383 = arith.constant 60 : i32
        %add3A_1384 = vector.broadcast %add3A_1383 : i32 to vector<16xi32>
        %add3A_1385 = arith.addi %mul3A_31, %add3A_1384 : vector<16xi32>
        %jit3A_1386 = arith.constant 0.000000e+00 : f32
        %broadcast_in_dim3A_1387 = vector.broadcast %jit3A_1386 : f32 to vector<16xf32>
        %select_n3A_1388 = arith.select %ge3A_1382, %gather3A_1381, %broadcast_in_dim3A_1387 : vector<16xi1>, vector<16xf32>
        tpu.vector_store_idx %arg6[%add3A_1385], %select_n3A_1388 : memref<16384xf32, #tpu.memory_space<vmem>>[vector<16xi32>], vector<16xf32>,
        %add3A_1389 = arith.constant 60 : i32
        %add3A_1390 = vector.broadcast %add3A_1389 : i32 to vector<16xi32>
        %add3A_1391 = arith.addi %mul3A_31, %add3A_1390 : vector<16xi32>
        %select_n3A_1392 = arith.select %ge3A_1382, %broadcast_in_dim3A_478, %broadcast_in_dim3A_480 : vector<16xi1>, vector<16xi32>
        tpu.vector_store_idx %arg7[%add3A_1391], %select_n3A_1392 : memref<16384xi32, #tpu.memory_space<vmem>>[vector<16xi32>], vector<16xi32>,
        %add3A_1393 = arith.constant 61 : i32
        %add3A_1394 = vector.broadcast %add3A_1393 : i32 to vector<16xi32>
        %add3A_1395 = arith.addi %mul3A_31, %add3A_1394 : vector<16xi32>
        %gather3A_1396 = tpu.vector_load_idx %arg5[%add3A_1395] : memref<16384xf32, #tpu.memory_space<vmem>>[vector<16xi32>], vector<16xf32>,
        %ge3A_1397 = arith.cmpf oge, %gather3A_1396, %max3A_475 : vector<16xf32>
        %add3A_1398 = arith.constant 61 : i32
        %add3A_1399 = vector.broadcast %add3A_1398 : i32 to vector<16xi32>
        %add3A_1400 = arith.addi %mul3A_31, %add3A_1399 : vector<16xi32>
        %jit3A_1401 = arith.constant 0.000000e+00 : f32
        %broadcast_in_dim3A_1402 = vector.broadcast %jit3A_1401 : f32 to vector<16xf32>
        %select_n3A_1403 = arith.select %ge3A_1397, %gather3A_1396, %broadcast_in_dim3A_1402 : vector<16xi1>, vector<16xf32>
        tpu.vector_store_idx %arg6[%add3A_1400], %select_n3A_1403 : memref<16384xf32, #tpu.memory_space<vmem>>[vector<16xi32>], vector<16xf32>,
        %add3A_1404 = arith.constant 61 : i32
        %add3A_1405 = vector.broadcast %add3A_1404 : i32 to vector<16xi32>
        %add3A_1406 = arith.addi %mul3A_31, %add3A_1405 : vector<16xi32>
        %select_n3A_1407 = arith.select %ge3A_1397, %broadcast_in_dim3A_478, %broadcast_in_dim3A_480 : vector<16xi1>, vector<16xi32>
        tpu.vector_store_idx %arg7[%add3A_1406], %select_n3A_1407 : memref<16384xi32, #tpu.memory_space<vmem>>[vector<16xi32>], vector<16xi32>,
        %add3A_1408 = arith.constant 62 : i32
        %add3A_1409 = vector.broadcast %add3A_1408 : i32 to vector<16xi32>
        %add3A_1410 = arith.addi %mul3A_31, %add3A_1409 : vector<16xi32>
        %gather3A_1411 = tpu.vector_load_idx %arg5[%add3A_1410] : memref<16384xf32, #tpu.memory_space<vmem>>[vector<16xi32>], vector<16xf32>,
        %ge3A_1412 = arith.cmpf oge, %gather3A_1411, %max3A_475 : vector<16xf32>
        %add3A_1413 = arith.constant 62 : i32
        %add3A_1414 = vector.broadcast %add3A_1413 : i32 to vector<16xi32>
        %add3A_1415 = arith.addi %mul3A_31, %add3A_1414 : vector<16xi32>
        %jit3A_1416 = arith.constant 0.000000e+00 : f32
        %broadcast_in_dim3A_1417 = vector.broadcast %jit3A_1416 : f32 to vector<16xf32>
        %select_n3A_1418 = arith.select %ge3A_1412, %gather3A_1411, %broadcast_in_dim3A_1417 : vector<16xi1>, vector<16xf32>
        tpu.vector_store_idx %arg6[%add3A_1415], %select_n3A_1418 : memref<16384xf32, #tpu.memory_space<vmem>>[vector<16xi32>], vector<16xf32>,
        %add3A_1419 = arith.constant 62 : i32
        %add3A_1420 = vector.broadcast %add3A_1419 : i32 to vector<16xi32>
        %add3A_1421 = arith.addi %mul3A_31, %add3A_1420 : vector<16xi32>
        %select_n3A_1422 = arith.select %ge3A_1412, %broadcast_in_dim3A_478, %broadcast_in_dim3A_480 : vector<16xi1>, vector<16xi32>
        tpu.vector_store_idx %arg7[%add3A_1421], %select_n3A_1422 : memref<16384xi32, #tpu.memory_space<vmem>>[vector<16xi32>], vector<16xi32>,
        %add3A_1423 = arith.constant 63 : i32
        %add3A_1424 = vector.broadcast %add3A_1423 : i32 to vector<16xi32>
        %add3A_1425 = arith.addi %mul3A_31, %add3A_1424 : vector<16xi32>
        %gather3A_1426 = tpu.vector_load_idx %arg5[%add3A_1425] : memref<16384xf32, #tpu.memory_space<vmem>>[vector<16xi32>], vector<16xf32>,
        %ge3A_1427 = arith.cmpf oge, %gather3A_1426, %max3A_475 : vector<16xf32>
        %add3A_1428 = arith.constant 63 : i32
        %add3A_1429 = vector.broadcast %add3A_1428 : i32 to vector<16xi32>
        %add3A_1430 = arith.addi %mul3A_31, %add3A_1429 : vector<16xi32>
        %jit3A_1431 = arith.constant 0.000000e+00 : f32
        %broadcast_in_dim3A_1432 = vector.broadcast %jit3A_1431 : f32 to vector<16xf32>
        %select_n3A_1433 = arith.select %ge3A_1427, %gather3A_1426, %broadcast_in_dim3A_1432 : vector<16xi1>, vector<16xf32>
        tpu.vector_store_idx %arg6[%add3A_1430], %select_n3A_1433 : memref<16384xf32, #tpu.memory_space<vmem>>[vector<16xi32>], vector<16xf32>,
        %add3A_1434 = arith.constant 63 : i32
        %add3A_1435 = vector.broadcast %add3A_1434 : i32 to vector<16xi32>
        %add3A_1436 = arith.addi %mul3A_31, %add3A_1435 : vector<16xi32>
        %select_n3A_1437 = arith.select %ge3A_1427, %broadcast_in_dim3A_478, %broadcast_in_dim3A_480 : vector<16xi1>, vector<16xi32>
        tpu.vector_store_idx %arg7[%add3A_1436], %select_n3A_1437 : memref<16384xi32, #tpu.memory_space<vmem>>[vector<16xi32>], vector<16xi32>,
        %scan3A_1438 = arith.constant 0 : i32
        scf.yield %scan3A_1438 : i32
      }
      %scan3A_21 = arith.constant 16 : i32
      "tpu.region"() ({
        %run_scoped3A = tpu.sem_alloc : memref<!tpu.dma_semaphore, #tpu.memory_space<semaphore_mem>>
        %dma_start3A = tpu.memref_slice %arg3[%add3A_14] : memref<2097152xf32, #tpu.memory_space<hbm>> -> memref<16384xf32, #tpu.memory_space<hbm>>
        %dma_start3A_23 = tpu.memref_slice %arg3[%add3A_14] : memref<2097152xf32, #tpu.memory_space<hbm>> -> memref<16384xf32, #tpu.memory_space<hbm>>
        tpu.enqueue_dma source(%arg6 : memref<16384xf32, #tpu.memory_space<vmem>>) target(%dma_start3A_23 : memref<16384xf32, #tpu.memory_space<hbm>>) target_semaphore(%run_scoped3A : memref<!tpu.dma_semaphore, #tpu.memory_space<semaphore_mem>>)
        %dma_wait3A = tpu.memref_slice %arg3[%add3A_14] : memref<2097152xf32, #tpu.memory_space<hbm>> -> memref<16384xf32, #tpu.memory_space<hbm>>
        %dma_wait3A_24 = tpu.memref_slice %arg3[%add3A_14] : memref<2097152xf32, #tpu.memory_space<hbm>> -> memref<16384xf32, #tpu.memory_space<hbm>>
        tpu.wait_dma2 semaphore(%run_scoped3A : memref<!tpu.dma_semaphore, #tpu.memory_space<semaphore_mem>>) src(%arg6 : memref<16384xf32, #tpu.memory_space<vmem>>) dst(%dma_wait3A_24 : memref<16384xf32, #tpu.memory_space<hbm>>)
        tpu.yield
      }) : () -> ()
      "tpu.region"() ({
        %run_scoped3A = tpu.sem_alloc : memref<!tpu.dma_semaphore, #tpu.memory_space<semaphore_mem>>
        %dma_start3A = tpu.memref_slice %arg4[%add3A_14] : memref<2097152xi32, #tpu.memory_space<hbm>> -> memref<16384xi32, #tpu.memory_space<hbm>>
        %dma_start3A_23 = tpu.memref_slice %arg4[%add3A_14] : memref<2097152xi32, #tpu.memory_space<hbm>> -> memref<16384xi32, #tpu.memory_space<hbm>>
        tpu.enqueue_dma source(%arg7 : memref<16384xi32, #tpu.memory_space<vmem>>) target(%dma_start3A_23 : memref<16384xi32, #tpu.memory_space<hbm>>) target_semaphore(%run_scoped3A : memref<!tpu.dma_semaphore, #tpu.memory_space<semaphore_mem>>)
        %dma_wait3A = tpu.memref_slice %arg4[%add3A_14] : memref<2097152xi32, #tpu.memory_space<hbm>> -> memref<16384xi32, #tpu.memory_space<hbm>>
        %dma_wait3A_24 = tpu.memref_slice %arg4[%add3A_14] : memref<2097152xi32, #tpu.memory_space<hbm>> -> memref<16384xi32, #tpu.memory_space<hbm>>
        tpu.wait_dma2 semaphore(%run_scoped3A : memref<!tpu.dma_semaphore, #tpu.memory_space<semaphore_mem>>) src(%arg7 : memref<16384xi32, #tpu.memory_space<vmem>>) dst(%dma_wait3A_24 : memref<16384xi32, #tpu.memory_space<hbm>>)
        tpu.yield
      }) : () -> ()
      %scan3A_22 = arith.constant 0 : i32
      scf.yield %scan3A_22 : i32
    }
    %scan3A_9 = arith.constant 4 : i32
    return
  }
}

module attributes {stable_mosaic.version = 14 : i64} {
  func.func @_softmax_block(%arg0: i32, %arg1: memref<4096x768xf32, #tpu.memory_space<vmem>>, %arg2: memref<768x64xf32, #tpu.memory_space<vmem>>, %arg3: memref<4096x64xf32, #tpu.memory_space<vmem>>) attributes {dimension_semantics = [#tpu.dimension_semantics<arbitrary>], iteration_bounds = array<i64: 8>, scalar_prefetch = 0 : i64, scratch_operands = 0 : i64, tpu.core_type = #tpu.core_type<tc>, window_params = [{transform_indices = @transform_0, window_bounds = array<i64: 4096, 768>}, {pipeline_mode = #tpu.pipeline_mode<synchronous>, transform_indices = @transform_1, window_bounds = array<i64: 768, 64>}, {transform_indices = @transform_2, window_bounds = array<i64: 4096, 64>}]} {
    %get3A = arith.constant 0 : index
    %get3A_0 = arith.constant 0 : index
    %get3A_1 = vector.load %arg1[%get3A, %get3A_0] : memref<4096x768xf32, #tpu.memory_space<vmem>>, vector<4096x768xf32>
    %get3A_2 = arith.constant 0 : index
    %get3A_3 = arith.constant 0 : index
    %get3A_4 = vector.load %arg2[%get3A_2, %get3A_3] : memref<768x64xf32, #tpu.memory_space<vmem>>, vector<768x64xf32>
    %dot_general3A = arith.constant dense<0.000000e+00> : vector<4096x64xf32>
    %dot_general3A_5 = tpu.matmul %get3A_1, %get3A_4, %dot_general3A {dimension_numbers = #tpu.dot_dimension_numbers<[1], [0], [0], [1], [0, 0, 1, 1], [], []>, transpose_lhs_hint = false} : vector<4096x768xf32>, vector<768x64xf32>, vector<4096x64xf32> -> vector<4096x64xf32>
    %reduce_max3A = arith.constant dense<0xFF800000> : vector<4096xf32>
    %reduce_max3A_6 = vector.multi_reduction <maximumf>, %dot_general3A_5, %reduce_max3A [1] : vector<4096x64xf32> to vector<4096xf32>
    %broadcast_in_dim3A = vector.shape_cast %reduce_max3A_6 : vector<4096xf32> to vector<4096x1xf32>
    %sub3A = vector.broadcast %broadcast_in_dim3A : vector<4096x1xf32> to vector<4096x64xf32>
    %sub3A_7 = arith.subf %dot_general3A_5, %sub3A : vector<4096x64xf32>
    %exp3A = math.exp %sub3A_7 : vector<4096x64xf32>
    %reduce_sum3A = arith.constant dense<0.000000e+00> : vector<4096xf32>
    %reduce_sum3A_8 = vector.multi_reduction <add>, %exp3A, %reduce_sum3A [1] : vector<4096x64xf32> to vector<4096xf32>
    %broadcast_in_dim3A_9 = vector.shape_cast %reduce_sum3A_8 : vector<4096xf32> to vector<4096x1xf32>
    %div3A = vector.broadcast %broadcast_in_dim3A_9 : vector<4096x1xf32> to vector<4096x64xf32>
    %div3A_10 = arith.divf %exp3A, %div3A : vector<4096x64xf32>
    %swap3A = arith.constant 0 : index
    %swap3A_11 = arith.constant 0 : index
    %swap3A_12 = vector.load %arg3[%swap3A, %swap3A_11] : memref<4096x64xf32, #tpu.memory_space<vmem>>, vector<4096x64xf32>
    tpu.vector_store %arg3[%swap3A, %swap3A_11], %div3A_10 {strides = array<i32>} : memref<4096x64xf32, #tpu.memory_space<vmem>>, vector<4096x64xf32>,
    return
  }
  func.func @transform_0(%arg0: i32) -> (i32, i32) {
    %c0_i32 = arith.constant 0 : i32
    %c0_i32_0 = arith.constant 0 : i32
    return %arg0, %c0_i32 : i32, i32
  }
  func.func @transform_1(%arg0: i32) -> (i32, i32) {
    %c0_i32 = arith.constant 0 : i32
    %c0_i32_0 = arith.constant 0 : i32
    %c0_i32_1 = arith.constant 0 : i32
    return %c0_i32, %c0_i32_0 : i32, i32
  }
  func.func @transform_2(%arg0: i32) -> (i32, i32) {
    %c0_i32 = arith.constant 0 : i32
    %c0_i32_0 = arith.constant 0 : i32
    return %arg0, %c0_i32 : i32, i32
  }
}

</mosaic_0001>

<sc_bundles>
// kernel: kernel.4.cloned.1.call-start
scs
__scs_entry_jumppad:
0x0: {  	(pc) =	sbr.rel $0x88, $3  }
0x1: {  	(tag) =	ssettag $0x0;
	lr =	simm.s32 $0x1  }
0x2: {  	[smem:$0x3F9F] =	sst lr;
	_ =	strace $0xD0000000  }
0x3: {  	_ = 	snop  }
0x4: {  	_ = 	snop  }
0x5: {  	_ = 	snop  }
0x6: {  	_ = 	snop  }
0x7: {  	_ = 	snop  }
__scs_overlays_trampoline_lowered:
0x8: {  	[smem:$0x3FAE] =	sst s0  }
0x9: {  	[smem:$0x3FAF] =	sst s1  }
0xa: {  	[smem:$0x3FB0] =	sst s2  }
0xb: {  	[smem:$0x3FB1] =	sst s3  }
0xc: {  	[smem:$0x3FB2] =	sst s4  }
0xd: {  	[smem:$0x3FB3] =	sst s5  }
0xe: {  	[smem:$0x3FB4] =	sst s6  }
0xf: {  	[smem:$0x3FB5] =	sst s7  }
0x10: {  	[smem:$0x3FB6] =	sst s8  }
0x11: {  	[smem:$0x3FB7] =	sst s9;
	s0 =	simm.s32 @!p0 $0x0  }
0x12: {  	s1 =	sld [smem:$0x3F9D];
	s0 =	simm.s32 @p0 $0x1  }
0x13: {  	[smem:$0x3FB8] =	sst s0;
	s0 =	simm.s32 @!p1 $0x0  }
0x14: {  	s2 =	sld [smem:$0x3F9C];
	s0 =	simm.s32 @p1 $0x1  }
0x15: {  	[smem:$0x3FB9] =	sst s0;
	s0 =	simm.s32 @!p2 $0x0  }
0x16: {  	s3 =	sld [smem:$0x3FDB];
	s0 =	simm.s32 @p2 $0x1  }
0x17: {  	s4 =	simm.s32 $0x1BF5;
	[smem:$0x3FBB] =	sst s0  }
0x18: {  	s0 =	sld [smem:$0x3F9E];
	_ =	swait.ge [sflag:s4], $0x0  }
0x19: {  	s7 =	sld [smem:$0x3F9F]  }
0x1a: {  	s8 =	sadd.s32 $0xFFFFE003, lr  }
0x1b: {  	s9 =	sadd.s32 $0xFFFFFEF7, lr;
	s5 =	simm.s32 $0xFFFFFFFF;
	p2 =	slt.u32 s8, $0xFFFFF086  }
0x1c: {  	p1 =	slt.u32 s9, $0xF7A;
	s5 =	simm.s32 @!p2 $0x0  }
0x1d: {  	s5 =	simm.s32 @p1 $0x1;
	p0 =	seq.s32 s7, s2  }
0x1e: {  	s7 =	smul.u32 @!p0 $0xF7A, s2;
	p2 =	seq.s32 @!p0 s5, $0x0  }
0x1f: {  	s9 =	smul.u32 $0xF7A, s1;
	s8 =	simm.s32 @!p0 $0x1BF5;
	p2 =	por !p2, p0  }
0x20: {  	[sflag:s8] =	ssyncset.s32 @!p0 $0xFFFFF086;
	s6 =	sadd.s32 @!p0 s3, s7;
	s7 =	simm.s32 @!p0 $0x108  }
0x21: {  	s3 =	sadd.s32 s3, s9;
	s6 =	sadd.s32 @!p0 $0x88, s6;
	s7 =	simm.s32 @p2 $0x1082  }
0x22: {  	[simem:s7], [sflag:s8] =	dma.local @!p0 [hbm:s6], $0xF7A  }
0x23: {  	s9 =	sor.u32 $0xD0000000, s2;
	s6 =	simm.s32 $0x108;
	_ =	swait.ge @!p0 [sflag:s8], $0x0  }
0x24: {  	s3 =	sadd.s32 $0x88, s3;
	s6 =	simm.s32 @!p1 $0x1082;
	[sflag:s4] =	ssyncset.s32 $0xFFFFF086  }
0x25: {  	[simem:s6], [sflag:s4] =	dma.local [hbm:s3], $0xF7A  }
0x26: {  	[smem:$0x3F9F] =	sst s1;
	(tag) =	ssettag s2;
	_ =	strace s9  }
0x27: {  	s1 =	sld [smem:$0x3FAF]  }
0x28: {  	s2 =	sld [smem:$0x3FB0]  }
0x29: {  	s4 =	sld [smem:$0x3FB2]  }
0x2a: {  	p0 =	seq.s32 s5, $0x0;
	s5 =	sld [smem:$0x3FB3]  }
0x2b: {  	s6 =	sld [smem:$0x3FB4]  }
0x2c: {  	s7 =	sld [smem:$0x3FB5]  }
0x2d: {  	s3 =	simm.s32 $0x108;
	s8 =	sld [smem:$0x3FB6]  }
0x2e: {  	s3 =	simm.s32 @!p0 $0x1082;
	s9 =	sld [smem:$0x3FB7]  }
0x2f: {  	lr =	sadd.s32 s0, s3;
	s0 =	sld [smem:$0x3FAE]  }
0x30: {  	s3 =	sld [smem:$0x3FB1]  }
0x31: {  	[smem:$0x3FBA] =	sst s10  }
0x32: {  	s10 =	sld [smem:$0x3FB8];
	_ =	sdelay $0x3  }
0x33: {  	p0 =	seq.s32 s10, $0x1;
	s10 =	sld [smem:$0x3FBA];
	_ =	sdelay $0x3  }
0x34: {  	[smem:$0x3FBA] =	sst s10  }
0x35: {  	s10 =	sld [smem:$0x3FB9];
	_ =	sdelay $0x3  }
0x36: {  	p1 =	seq.s32 s10, $0x1;
	s10 =	sld [smem:$0x3FBA];
	_ =	sdelay $0x3  }
0x37: {  	[smem:$0x3FBA] =	sst s10  }
0x38: {  	s10 =	sld [smem:$0x3FBB]  }
0x39: {  	_ = 	snop;
	(pc) =	sbr.ind lr, $3  }
0x3a: {  	_ = 	snop  }
0x3b: {  	_ = 	snop  }
0x3c: {  	p2 =	seq.s32 s10, $0x1;
	s10 =	sld [smem:$0x3FBA]  }
0x3d: {  	_ =	shalt  }
0x3e: {  	_ =	shalt  }
0x3f: {  	_ =	shalt  }
0x40: {  	_ =	shalt  }
0x41: {  	_ =	shalt  }
0x42: {  	_ =	shalt  }
0x43: {  	_ =	shalt  }
0x44: {  	_ =	shalt  }
0x45: {  	_ =	shalt  }
0x46: {  	_ =	shalt  }
0x47: {  	_ =	shalt  }
0x48: {  	_ =	shalt  }
0x49: {  	_ =	shalt  }
0x4a: {  	_ =	shalt  }
0x4b: {  	_ =	shalt  }
0x4c: {  	_ =	shalt  }
0x4d: {  	_ =	shalt  }
0x4e: {  	_ =	shalt  }
0x4f: {  	_ =	shalt  }
0x50: {  	_ =	shalt  }
0x51: {  	_ =	shalt  }
0x52: {  	_ =	shalt  }
0x53: {  	_ =	shalt  }
0x54: {  	_ =	shalt  }
0x55: {  	_ =	shalt  }
0x56: {  	_ =	shalt  }
0x57: {  	_ =	shalt  }
0x58: {  	_ =	shalt  }
0x59: {  	_ =	shalt  }
0x5a: {  	_ =	shalt  }
0x5b: {  	_ =	shalt  }
0x5c: {  	_ =	shalt  }
0x5d: {  	_ =	shalt  }
0x5e: {  	_ =	shalt  }
0x5f: {  	_ =	shalt  }
0x60: {  	_ =	shalt  }
0x61: {  	_ =	shalt  }
0x62: {  	_ =	shalt  }
0x63: {  	_ =	shalt  }
0x64: {  	_ =	shalt  }
0x65: {  	_ =	shalt  }
0x66: {  	_ =	shalt  }
0x67: {  	_ =	shalt  }
0x68: {  	_ =	shalt  }
0x69: {  	_ =	shalt  }
0x6a: {  	_ =	shalt  }
0x6b: {  	_ =	shalt  }
0x6c: {  	_ =	shalt  }
0x6d: {  	_ =	shalt  }
0x6e: {  	_ =	shalt  }
0x6f: {  	_ =	shalt  }
0x70: {  	_ =	shalt  }
0x71: {  	_ =	shalt  }
0x72: {  	_ =	shalt  }
0x73: {  	_ =	shalt  }
0x74: {  	_ =	shalt  }
0x75: {  	_ =	shalt  }
0x76: {  	_ =	shalt  }
0x77: {  	_ =	shalt  }
0x78: {  	_ =	shalt  }
0x79: {  	_ =	shalt  }
0x7a: {  	_ =	shalt  }
0x7b: {  	_ =	shalt  }
0x7c: {  	_ =	shalt  }
0x7d: {  	_ =	shalt  }
0x7e: {  	_ =	shalt  }
0x7f: {  	_ =	shalt  }
0x80: {  	_ =	shalt  }
0x81: {  	_ =	shalt  }
0x82: {  	_ =	shalt  }
0x83: {  	_ =	shalt  }
0x84: {  	_ =	shalt  }
0x85: {  	_ =	shalt  }
0x86: {  	_ =	shalt  }
0x87: {  	_ =	shalt  }
.Lfunc_end0:
.L_simem_size_0:
called_computation_lowered:
.L_overlay_start_0:
0x88: {  	s2 =	sld [smem:$0x3FD9]  }
0x89: {  	s3 =	sld [smem:$0x3FFE];
	_ =	sdelay $0x1  }
0x8a: {  	s1 =	srdreg.scid  }
0x8b: {  	s0 =	sand.u32 $0x1, s1  }
0x8c: {  	s14 =	sshll.u32 s0, $0xA;
	s2 =	sadd.s32 s3, s2  }
0x8d: {  	s2 =	sadd.s32 s2, s14  }
0x8e: {  	[smem:$0x3FC6] =	sst s2  }
0x8f: {  	_ = 	snop  }
0x90: {  	s2 =	sld [smem:$0x3FD0];
	_ =	sdelay $0x2  }
0x91: {  	s15 =	simm.s32 $0xA;
	s4 =	simm.s32 $0x10  }
0x92: {  	[smem:s4], [sflag:s15] =	dma.local [hbm:s2], $0x1  }
0x93: {  	_ =	swait.eq [sflag:s15], $0x1  }
0x94: {  	[sflag:s15] =	ssyncset.done $0x0  }
0x95: {  	[sflag:s15] =	ssyncadd.s32 $0xFFFFFFFF  }
0x96: {  	s16 =	sld [smem:$0x10];
	(tm) =	ssettm $0x1  }
0x97: {  	s17 =	sld [smem:$0x3FFB];
	_ =	sdelay $0x3  }
0x98: {  	_ =	strace s17  }
0x99: {  	s3 =	sld [smem:$0x3FFC];
	_ =	sdelay $0x3  }
0x9a: {  	_ =	strace s3  }
0x9b: {  	s3 =	sld [smem:$0x3FFD];
	_ =	sdelay $0x3  }
0x9c: {  	_ =	strace s3  }
0x9d: {  	_ =	strace $0x8FFFFFFF  }
0x9e: {  	s18 =	sld [smem:$0x3FDB];
	_ =	sdelay $0x1  }
0x9f: {  	s19 =	simm.s32 $_scs_section_size  }
0xa0: {  	s5 =	simm.s32 $_size__tile_overlayer_lowered;
	s6 =	simm.s32 $_tile_overlayer_lowered  }
0xa1: {  	s22 =	simm.s32 $0x1BFF;
	s21 =	sshll.u32 s6, $0x1;
	s3 =	sadd.s32 s19, s18  }
0xa2: {  	s7 =	simm.s32 $0x0;
	s20 =	sshll.u32 s5, $0x1;
	s5 =	sadd.s32 s21, s3  }
0xa3: {  	[timem:s7], [sflag:s22] =	dma.local [hbm:s5], s20  }
0xa4: {  	_ =	swait.ge [sflag:s22], s20  }
0xa5: {  	s4 =	ssub.s32 $0x0, s20;
	[sflag:s22] =	ssyncset.done $0x0  }
0xa6: {  	[sflag:s22] =	ssyncadd.s32 s4;
	_ =	sdelay $0x1  }
0xa7: {  	s23 =	simm.s32 $0x1B8B  }
0xa8: {  	_ =	swait.ge [sflag:s23], $0x1  }
0xa9: {  	[sflag:s23] =	ssyncset.done $0x0  }
0xaa: {  	s25 =	simm.s32 $0x1B8E;
	s24 =	sld [smem:$0x3FFE];
	[sflag:s23] =	ssyncadd.s32 $0xFFFFFFFF  }
0xab: {  	s26 =	simm.s32 $execute0_lowered;
	[smem:$0x3FD2] =	sst s25  }
0xac: {  	s5 =	sshll.u32 s26, $0x1;
	_ =	strace $0x80000046;
	[dreg:$0x1] =	wrdreg $0xFFFFFFFF  }
0xad: {  	s28 =	simm.s32 $_size_execute0_lowered;
	s3 =	sadd.s32 s3, s5;
	[dreg:$0x0] =	wrdreg $0x0  }
0xae: {  	s5 =	sshll.u32 s28, $0x1;
	[dreg:$0x2] =	wrdreg s3  }
0xaf: {  	[dreg:$0x3] =	wrdreg s5  }
0xb0: {  	[dreg:$0x4] =	wrdreg $0xC0  }
0xb1: {  	_ =	task [dreg:s7], $0x5FFFF  }
0xb2: {  	[dreg:$0x1] =	wrdreg $0xFFFFFFFF  }
0xb3: {  	[dreg:$0x0] =	wrdreg $0x60  }
0xb4: {  	[dreg:$0x2] =	wrdreg s16  }
0xb5: {  	[dreg:$0x3] =	wrdreg s24  }
0xb6: {  	[dreg:$0x4] =	wrdreg $0x9  }
0xb7: {  	_ =	task.clear_ibuf [dreg:s7], $0x5FFFF;
	_ =	strace $0x90000046  }
0xb8: {  	s29 =	simm.s32 $0x9;
	_ =	strace $0x80000048  }
0xb9: {  	_ =	swait.ge [sflag:s29], $0x1  }
0xba: {  	[sflag:s29] =	ssyncadd.s32 $0xFFFFFFFF  }
0xbb: {  	_ =	strace $0x90000048  }
0xbc: {  	_ =	sfence  }
0xbd: {  	s30 =	sld [smem:$0x0];
	_ =	sdelay $0x2  }
0xbe: {  	s31 =	sshll.u32 s1, $0xD;
	s1 =	sshrl.u32 s1, $0x2  }
0xbf: {  	s3 =	sand.u32 $0x4000, s31;
	s1 =	sadd.s32 s1, s30  }
0xc0: {  	s0 =	sor.u32 s3, s0;
	s1 =	sshll.u32 s1, $0x11  }
0xc1: {  	s0 =	sor.u32 s1, s0  }
0xc2: {  	s0 =	sadd.s32 $0x8F2B, s0  }
0xc3: {  	[sflag:s0] =	ssyncadd.remote.s32 $0x1  }
0xc4: {  	_ =	sfence.sel $0xFFFF  }
0xc5: {  	[dreg:$0x0] =	wrdreg $0xFFFFFFFF;
	(pc) =	sbr.abs _section_cstart, $3  }
0xc6: {  	[dreg:$0x1] =	wrdreg $0xFFFFFFFF  }
0xc7: {  	_ =	task.clear_ibuf [dreg:s7], $0x2FFFF;
	_ =	strace $0x9FFFFFFF  }
0xc8: {  	(tm) =	ssettm $0x7FFFFFFF  }
0xc9: {  	_ =	shalt  }
tec
execute0_lowered:
.L_overlay_start_1:
0x0: {  	(tag) =	ssettag $0x1  }
0x1: {  	s1 =	rddreg [dreg:$0x0]  }
0x2: {  	s3 =	rddreg [dreg:$0x1]  }
0x3: {  	s0 =	rddreg [dreg:$0x2];
	s2 =	simm.s32 $0x0  }
0x4: {  	s4 =	srdreg.scid;
	s9 =	simm.s32 $0x4000;
	s10 =	simm.s32 $0x8000  }
0x5: {  	s11 =	simm.s32 $0x0;
	[smem:$0x7FF] =	sst s2;
	s6 =	sand.u32 $0x1, s4  }
0x6: {  	s4 =	sadd.s32 $0x41000, s3;
	s5 =	sadd.s32 $0x1000, s3;
	s7 =	ssub.s32 $0x2, s6  }
0x7: {  	s3 =	stileid.u32;
	_ =	strace $0x80000047;
	s8 =	sshrl.u32 s7, $0x1  }
0x8: {  	v0 =	vlaneseq.u32;
	s31 =	sshll.u32 s3, $0xE;
	s6 =	sshll.u32 s6, $0xD;
	s7 =	ssub.s32 s7, s8  }
0x9: {  	v18 =	vimm.s32 $0x0;
	v1 =	vmul.u32 $0x40, v0;
	s6 =	sor.u32 s6, s31;
	s8 =	simm.s32 $0x1;
	s7 =	smax.u32 s7, $0x1  }
.LBB2_1:
0xa: {  	s12 =	simm.s32 $0x0  }
.LBB2_2:
0xb: {  	s13 =	sshll.u32 s12, $0xB  }
0xc: {  	s13 =	sadd.s32 s6, s13  }
0xd: {  	s14 =	simm.s32 $0x0;
	s15 =	sadd.s32 s1, s13  }
0xe: {  	[tilespmem:s14], [sflag:$0x1] =	stream.linear.gather [hbm4b:s15+s14], $0x4000, $0x38;
	[tilespmem:$0xC000] =	vst v63  }
0xf: {  	_ =	swait.ge [sflag:s8], $0x4000  }
0x10: {  	[sflag:s8] =	ssyncset.done $0x0  }
0x11: {  	[sflag:s8] =	ssyncadd.s32 $0xFFFFC000  }
.LBB2_3:
0x12: {  	v0 =	vmov s14  }
0x13: {  	v0 =	vshll.u32 v0, $0x6  }
0x14: {  	v0 =	vor.u32 v1, v0  }
0x15: {  	v19 =	vor.u32 $0x1, v0  }
0x16: {  	v20 =	vor.u32 $0x2, v0  }
0x17: {  	v63 =	vor.u32 $0x3, v0  }
0x18: {  	v62 =	vor.u32 $0x4, v0  }
0x19: {  	v61 =	vor.u32 $0x5, v0;
	v13 =	vld.idx.msk [tilespmem:v0+s2+$0x0], $0xffff  }
0x1a: {  	v60 =	vor.u32 $0x6, v0;
	v59 =	vor.u32 $0x7, v0;
	v57 =	vor.u32 $0x8, v0;
	v5 =	vld.idx.msk [tilespmem:v19+s2+$0x0], $0xffff  }
0x1b: {  	v58 =	vor.u32 $0x9, v0;
	v55 =	vor.u32 $0xA, v0;
	v56 =	vor.u32 $0xB, v0;
	v6 =	vld.idx.msk [tilespmem:v20+s2+$0x0], $0xffff  }
0x1c: {  	v53 =	vor.u32 $0xC, v0;
	v54 =	vor.u32 $0xD, v0;
	v51 =	vor.u32 $0xE, v0;
	v7 =	vld.idx.msk [tilespmem:v63+s2+$0x0], $0xffff  }
0x1d: {  	v52 =	vor.u32 $0xF, v0;
	v49 =	vor.u32 $0x10, v0;
	v50 =	vor.u32 $0x11, v0;
	v9 =	vld.idx.msk [tilespmem:v62+s2+$0x0], $0xffff  }
0x1e: {  	v48 =	vor.u32 $0x13, v0;
	v36 =	vor.u32 $0x1F, v0;
	v3 =	vor.u32 $0x2C, v0  }
0x1f: {  	v11 =	vld.idx.msk [tilespmem:v61+s2+$0x0], $0xffff;
	v8 =	vmin.f32 v13, $-Inf;
	v10 =	vmin.f32 v13, v5;
	v5 =	vmax.f32 v13, v5  }
0x20: {  	v38 =	vld.idx.msk [tilespmem:v60+s2+$0x0], $0xffff;
	v8 =	vmax.f32 v8, v10;
	v37 =	vmin.f32 v5, v6;
	v5 =	vmax.f32 v5, v6  }
0x21: {  	v42 =	vld.idx.msk [tilespmem:v59+s2+$0x0], $0xffff;
	v8 =	vmax.f32 v8, v37;
	v39 =	vmin.f32 v5, v7;
	v5 =	vmax.f32 v5, v7  }
0x22: {  	v37 =	vor.u32 $0x1C, v0;
	v40 =	vmax.f32 v8, v39;
	v41 =	vmin.f32 v5, v9  }
0x23: {  	v43 =	vld.idx.msk [tilespmem:v57+s2+$0x0], $0xffff;
	v5 =	vmax.f32 v5, v9;
	v39 =	vor.u32 $0x1A, v0;
	v7 =	vmax.f32 v40, v41  }
0x24: {  	v45 =	vld.idx.msk [tilespmem:v58+s2+$0x0], $0xffff;
	v9 =	vmin.f32 v5, v11;
	v5 =	vmax.f32 v5, v11;
	v41 =	vor.u32 $0x18, v0  }
0x25: {  	v7 =	vmax.f32 v7, v9;
	v44 =	vmin.f32 v5, v38;
	v5 =	vmax.f32 v5, v38  }
0x26: {  	v46 =	vld.idx.msk [tilespmem:v55+s2+$0x0], $0xffff;
	v40 =	vor.u32 $0x1B, v0;
	v7 =	vmax.f32 v7, v44;
	v47 =	vmin.f32 v5, v42  }
0x27: {  	v12 =	vld.idx.msk [tilespmem:v56+s2+$0x0], $0xffff;
	v5 =	vmax.f32 v5, v42;
	v44 =	vor.u32 $0x17, v0;
	v7 =	vmax.f32 v7, v47  }
0x28: {  	v14 =	vld.idx.msk [tilespmem:v53+s2+$0x0], $0xffff;
	v4 =	vmin.f32 v5, v43;
	v5 =	vmax.f32 v5, v43;
	v47 =	vor.u32 $0x12, v0  }
0x29: {  	v22 =	vld.idx.msk [tilespmem:v54+s2+$0x0], $0xffff;
	v43 =	vor.u32 $0x16, v0;
	v7 =	vmax.f32 v7, v4;
	v15 =	vmin.f32 v5, v45  }
0x2a: {  	v23 =	vld.idx.msk [tilespmem:v51+s2+$0x0], $0xffff;
	v5 =	vmax.f32 v5, v45;
	v45 =	vor.u32 $0x14, v0;
	v7 =	vmax.f32 v7, v15  }
0x2b: {  	v26 =	vld.idx.msk [tilespmem:v52+s2+$0x0], $0xffff;
	v21 =	vmin.f32 v5, v46;
	v5 =	vmax.f32 v5, v46;
	v46 =	vor.u32 $0x15, v0  }
0x2c: {  	v27 =	vld.idx.msk [tilespmem:v49+s2+$0x0], $0xffff;
	v7 =	vmax.f32 v7, v21;
	v24 =	vmin.f32 v5, v12;
	v5 =	vmax.f32 v5, v12  }
0x2d: {  	v7 =	vmax.f32 v7, v24;
	v25 =	vmin.f32 v5, v14;
	v5 =	vmax.f32 v5, v14  }
0x2e: {  	v30 =	vld.idx.msk [tilespmem:v50+s2+$0x0], $0xffff;
	v7 =	vmax.f32 v7, v25;
	v28 =	vmin.f32 v5, v22;
	v5 =	vmax.f32 v5, v22  }
0x2f: {  	v31 =	vld.idx.msk [tilespmem:v47+s2+$0x0], $0xffff;
	v7 =	vmax.f32 v7, v28;
	v29 =	vmin.f32 v5, v23;
	v5 =	vmax.f32 v5, v23  }
0x30: {  	v34 =	vld.idx.msk [tilespmem:v48+s2+$0x0], $0xffff;
	v7 =	vmax.f32 v7, v29;
	v32 =	vmin.f32 v5, v26;
	v5 =	vmax.f32 v5, v26  }
0x31: {  	v42 =	vor.u32 $0x19, v0;
	v7 =	vmax.f32 v7, v32;
	v33 =	vmin.f32 v5, v27  }
0x32: {  	v35 =	vld.idx.msk [tilespmem:v45+s2+$0x0], $0xffff;
	v5 =	vmax.f32 v5, v27;
	v32 =	vor.u32 $0x23, v0;
	v7 =	vmax.f32 v7, v33  }
0x33: {  	v14 =	vld.idx.msk [tilespmem:v46+s2+$0x0], $0xffff;
	v38 =	vmin.f32 v5, v30;
	v5 =	vmax.f32 v5, v30;
	v33 =	vor.u32 $0x20, v0  }
0x34: {  	v15 =	vld.idx.msk [tilespmem:v43+s2+$0x0], $0xffff;
	v7 =	vmax.f32 v7, v38;
	v12 =	vmin.f32 v5, v31;
	v5 =	vmax.f32 v5, v31  }
0x35: {  	v23 =	vld.idx.msk [tilespmem:v44+s2+$0x0], $0xffff;
	v38 =	vor.u32 $0x1D, v0;
	v7 =	vmax.f32 v7, v12;
	v21 =	vmin.f32 v5, v34  }
0x36: {  	v24 =	vld.idx.msk [tilespmem:v41+s2+$0x0], $0xffff;
	v5 =	vmax.f32 v5, v34;
	v34 =	vor.u32 $0x21, v0;
	v7 =	vmax.f32 v7, v21  }
0x37: {  	v27 =	vld.idx.msk [tilespmem:v42+s2+$0x0], $0xffff;
	v22 =	vmin.f32 v5, v35;
	v5 =	vmax.f32 v5, v35;
	v35 =	vor.u32 $0x1E, v0  }
0x38: {  	v7 =	vmax.f32 v7, v22;
	v25 =	vmin.f32 v5, v14;
	v5 =	vmax.f32 v5, v14  }
0x39: {  	v28 =	vld.idx.msk [tilespmem:v39+s2+$0x0], $0xffff;
	v7 =	vmax.f32 v7, v25;
	v26 =	vmin.f32 v5, v15;
	v5 =	vmax.f32 v5, v15  }
0x3a: {  	v31 =	vld.idx.msk [tilespmem:v40+s2+$0x0], $0xffff;
	v7 =	vmax.f32 v7, v26;
	v29 =	vmin.f32 v5, v23;
	v5 =	vmax.f32 v5, v23  }
0x3b: {  	v12 =	vld.idx.msk [tilespmem:v37+s2+$0x0], $0xffff;
	v7 =	vmax.f32 v7, v29;
	v30 =	vmin.f32 v5, v24;
	v5 =	vmax.f32 v5, v24  }
0x3c: {  	v21 =	vld.idx.msk [tilespmem:v38+s2+$0x0], $0xffff;
	v29 =	vor.u32 $0x25, v0;
	v7 =	vmax.f32 v7, v30;
	v14 =	vmin.f32 v5, v27  }
0x3d: {  	v5 =	vmax.f32 v5, v27;
	v30 =	vor.u32 $0x22, v0;
	v7 =	vmax.f32 v7, v14  }
0x3e: {  	v22 =	vld.idx.msk [tilespmem:v35+s2+$0x0], $0xffff;
	v15 =	vmin.f32 v5, v28;
	v5 =	vmax.f32 v5, v28;
	v28 =	vor.u32 $0x24, v0  }
0x3f: {  	v25 =	vld.idx.msk [tilespmem:v36+s2+$0x0], $0xffff;
	v7 =	vmax.f32 v7, v15;
	v23 =	vmin.f32 v5, v31;
	v5 =	vmax.f32 v5, v31  }
0x40: {  	v8 =	vld.idx.msk [tilespmem:v33+s2+$0x0], $0xffff;
	v7 =	vmax.f32 v7, v23;
	v24 =	vmin.f32 v5, v12;
	v5 =	vmax.f32 v5, v12  }
0x41: {  	v27 =	vor.u32 $0x27, v0;
	v7 =	vmax.f32 v7, v24;
	v26 =	vmin.f32 v5, v21  }
0x42: {  	v14 =	vld.idx.msk [tilespmem:v34+s2+$0x0], $0xffff;
	v5 =	vmax.f32 v5, v21;
	v24 =	vor.u32 $0x28, v0;
	v7 =	vmax.f32 v7, v26  }
0x43: {  	v12 =	vmin.f32 v5, v22;
	v5 =	vmax.f32 v5, v22;
	v15 =	vld.idx.msk [tilespmem:v30+s2+$0x0], $0xffff;
	v26 =	vor.u32 $0x26, v0  }
0x44: {  	v23 =	vld.idx.msk [tilespmem:v32+s2+$0x0], $0xffff;
	v7 =	vmax.f32 v7, v12;
	v21 =	vmin.f32 v5, v25;
	v5 =	vmax.f32 v5, v25  }
0x45: {  	v7 =	vmax.f32 v7, v21;
	v22 =	vmin.f32 v5, v8;
	v5 =	vmax.f32 v5, v8;
	v8 =	vld.idx.msk [tilespmem:v28+s2+$0x0], $0xffff  }
0x46: {  	v2 =	vor.u32 $0x2E, v0;
	v11 =	vld.idx.msk [tilespmem:v29+s2+$0x0], $0xffff;
	v25 =	vor.u32 $0x29, v0;
	v7 =	vmax.f32 v7, v22  }
0x47: {  	v31 =	vmin.f32 v5, v14;
	v5 =	vmax.f32 v5, v14;
	v22 =	vor.u32 $0x2A, v0  }
0x48: {  	v7 =	vmax.f32 v7, v31;
	v4 =	vmin.f32 v5, v15;
	v5 =	vmax.f32 v5, v15;
	v6 =	vld.idx.msk [tilespmem:v26+s2+$0x0], $0xffff  }
0x49: {  	v15 =	vld.idx.msk [tilespmem:v27+s2+$0x0], $0xffff;
	v12 =	vmin.f32 v5, v23;
	v5 =	vmax.f32 v5, v23;
	v23 =	vor.u32 $0x2B, v0  }
0x4a: {  	v7 =	vmax.f32 v7, v4;
	v14 =	vmin.f32 v5, v8;
	v5 =	vmax.f32 v5, v8;
	v8 =	vld.idx.msk [tilespmem:v24+s2+$0x0], $0xffff  }
0x4b: {  	v7 =	vmax.f32 v7, v12;
	v31 =	vmin.f32 v5, v11;
	v5 =	vmax.f32 v5, v11;
	v11 =	vld.idx.msk [tilespmem:v25+s2+$0x0], $0xffff  }
0x4c: {  	v21 =	vor.u32 $0x2D, v0;
	v4 =	vor.u32 $0x2F, v0;
	v7 =	vmax.f32 v7, v14  }
0x4d: {  	v7 =	vmax.f32 v7, v31;
	v12 =	vmin.f32 v5, v6;
	v5 =	vmax.f32 v5, v6;
	v6 =	vld.idx.msk [tilespmem:v22+s2+$0x0], $0xffff  }
0x4e: {  	v7 =	vmax.f32 v7, v12;
	v14 =	vmin.f32 v5, v15;
	v5 =	vmax.f32 v5, v15;
	v31 =	vld.idx.msk [tilespmem:v23+s2+$0x0], $0xffff  }
0x4f: {  	v7 =	vmax.f32 v7, v14;
	v15 =	vmin.f32 v5, v8;
	v5 =	vmax.f32 v5, v8  }
0x50: {  	[tilespmem:$0x1FF50] =	vst v3;
	v8 =	vld.idx.msk [tilespmem:v3+s2+$0x0], $0xffff;
	v3 =	vor.u32 $0x30, v0;
	v7 =	vmax.f32 v7, v15;
	v12 =	vmin.f32 v5, v11  }
0x51: {  	v5 =	vmax.f32 v5, v11;
	v11 =	vld.idx.msk [tilespmem:v21+s2+$0x0], $0xffff;
	v7 =	vmax.f32 v7, v12  }
0x52: {  	v12 =	vor.u32 $0x31, v0;
	v14 =	vmin.f32 v5, v6;
	v5 =	vmax.f32 v5, v6;
	v6 =	vld.idx.msk [tilespmem:v2+s2+$0x0], $0xffff  }
0x53: {  	[tilespmem:$0x1FF60] =	vst v2;
	v2 =	vor.u32 $0x32, v0;
	v7 =	vmax.f32 v7, v14;
	v15 =	vmin.f32 v5, v31  }
0x54: {  	[tilespmem:$0x1FF70] =	vst v4;
	v10 =	vld.idx.msk [tilespmem:v4+s2+$0x0], $0xffff;
	v4 =	vor.u32 $0x33, v0;
	v5 =	vmax.f32 v5, v31;
	v7 =	vmax.f32 v7, v15  }
0x55: {  	[tilespmem:$0x1FF80] =	vst v3;
	v31 =	vmin.f32 v5, v8;
	v5 =	vmax.f32 v5, v8;
	v8 =	vld.idx.msk [tilespmem:v3+s2+$0x0], $0xffff;
	v3 =	vor.u32 $0x34, v0  }
0x56: {  	v7 =	vmax.f32 v7, v31;
	v14 =	vmin.f32 v5, v11;
	v5 =	vmax.f32 v5, v11  }
0x57: {  	v7 =	vmax.f32 v7, v14;
	v31 =	vld.idx.msk [tilespmem:v12+s2+$0x0], $0xffff;
	v15 =	vmin.f32 v5, v6  }
0x58: {  	v11 =	vor.u32 $0x35, v0;
	v5 =	vmax.f32 v5, v6;
	v6 =	vld.idx.msk [tilespmem:v2+s2+$0x0], $0xffff;
	v7 =	vmax.f32 v7, v15  }
0x59: {  	[tilespmem:$0x1FFB0] =	vst v4;
	v9 =	vmin.f32 v5, v10;
	v5 =	vmax.f32 v5, v10;
	v15 =	vor.u32 $0x36, v0  }
0x5a: {  	v10 =	vmovc v1;
	v1 =	vld.idx.msk [tilespmem:v4+s2+$0x0], $0xffff;
	v4 =	vor.u32 $0x37, v0;
	v7 =	vmax.f32 v7, v9;
	v14 =	vmin.f32 v5, v8  }
0x5b: {  	[tilespmem:$0x1FFA0] =	vst v2;
	v5 =	vmax.f32 v5, v8;
	v2 =	vld.idx.msk [tilespmem:v3+s2+$0x0], $0xffff;
	v9 =	vor.u32 $0x38, v0;
	v8 =	vor.u32 $0x39, v0  }
0x5c: {  	[tilespmem:$0x1FF90] =	vst v12;
	v7 =	vmax.f32 v7, v14;
	v12 =	vmin.f32 v5, v31;
	v5 =	vmax.f32 v5, v31  }
0x5d: {  	[tilespmem:$0x1FFC0] =	vst v3;
	v3 =	vor.u32 $0x3A, v0;
	v14 =	vld.idx.msk [tilespmem:v11+s2+$0x0], $0xffff;
	v12 =	vmax.f32 v7, v12;
	v31 =	vmin.f32 v5, v6  }
0x5e: {  	v5 =	vmax.f32 v5, v6;
	v7 =	vor.u32 $0x3B, v0;
	v12 =	vmax.f32 v12, v31;
	v31 =	vld.idx.msk [tilespmem:v15+s2+$0x0], $0xffff  }
0x5f: {  	[tilespmem:$0x1FFD0] =	vst v15;
	v6 =	vor.u32 $0x3C, v0;
	v15 =	vmin.f32 v5, v1;
	v1 =	vmax.f32 v5, v1;
	v16 =	vld.idx.msk [tilespmem:v4+s2+$0x0], $0xffff  }
0x60: {  	v5 =	vor.u32 $0x3D, v0;
	v12 =	vmax.f32 v12, v15;
	v15 =	vmin.f32 v1, v2;
	v17 =	vld.idx.msk [tilespmem:v9+s2+$0x0], $0xffff  }
0x61: {  	[tilespmem:$0x1FFE0] =	vst v4;
	v4 =	vor.u32 $0x3E, v0;
	v1 =	vmax.f32 v1, v2;
	v2 =	vld.idx.msk [tilespmem:v8+s2+$0x0], $0xffff;
	v12 =	vmax.f32 v12, v15  }
0x62: {  	[tilespmem:$0x1FFF0] =	vst v3;
	v15 =	vmin.f32 v1, v14;
	v1 =	vmax.f32 v1, v14;
	v14 =	vld.idx.msk [tilespmem:v3+s2+$0x0], $0xffff;
	v3 =	vor.u32 $0x3F, v0  }
0x63: {  	v12 =	vmax.f32 v12, v15;
	v15 =	vmin.f32 v1, v31;
	v1 =	vmax.f32 v1, v31;
	v31 =	vld.idx.msk [tilespmem:v7+s2+$0x0], $0xffff  }
0x64: {  	v12 =	vmax.f32 v12, v15;
	v15 =	vmin.f32 v1, v16;
	v1 =	vmax.f32 v1, v16;
	v16 =	vld.idx.msk [tilespmem:v6+s2+$0x0], $0xffff  }
0x65: {  	v12 =	vmax.f32 v12, v15;
	v15 =	vmin.f32 v1, v17;
	v1 =	vmax.f32 v1, v17;
	v17 =	vld.idx.msk [tilespmem:v5+s2+$0x0], $0xffff  }
0x66: {  	v12 =	vmax.f32 v12, v15;
	v15 =	vmin.f32 v1, v2;
	v1 =	vmax.f32 v1, v2;
	v2 =	vld.idx.msk [tilespmem:v4+s2+$0x0], $0xffff  }
0x67: {  	v12 =	vmax.f32 v12, v15;
	v15 =	vmin.f32 v1, v14;
	v1 =	vmax.f32 v1, v14;
	v14 =	vld.idx.msk [tilespmem:v3+s2+$0x0], $0xffff  }
0x68: {  	v12 =	vmax.f32 v12, v15;
	v15 =	vmin.f32 v1, v31;
	v1 =	vmax.f32 v1, v31  }
0x69: {  	v12 =	vmax.f32 v12, v15;
	v31 =	vmin.f32 v1, v16;
	v1 =	vmax.f32 v1, v16  }
0x6a: {  	v12 =	vmax.f32 v12, v31;
	v31 =	vmin.f32 v1, v17;
	v1 =	vmax.f32 v1, v17  }
0x6b: {  	v12 =	vmax.f32 v12, v31;
	v31 =	vmin.f32 v1, v2;
	v1 =	vmax.f32 v1, v2  }
0x6c: {  	v2 =	vmax.f32 v12, v31;
	v1 =	vmin.f32 v1, v14  }
0x6d: {  	v15 =	vmax.f32 v2, v1  }
0x6e: {  	vm0 =	vge.f32 v13, v15  }
0x6f: {  	v1 =	vnsel vm0, $0x0, v13  }
0x70: {  	[tilespmem:v0+s9+$0x0] =	vst.idx.msk $0xffff, v1;
	v1 =	vsel vm0, $0x1, v18  }
0x71: {  	[tilespmem:v0+s10+$0x0] =	vst.idx.msk $0xffff, v1  }
0x72: {  	v0 =	vld.idx.msk [tilespmem:v19+s2+$0x0], $0xffff;
	_ =	sdelay $0x4  }
0x73: {  	vm13 =	vge.f32 v0, v15  }
0x74: {  	v0 =	vnsel vm13, $0x0, v0  }
0x75: {  	[tilespmem:v19+s9+$0x0] =	vst.idx.msk $0xffff, v0;
	v0 =	vsel vm13, $0x1, v18  }
0x76: {  	[tilespmem:v19+s10+$0x0] =	vst.idx.msk $0xffff, v0  }
0x77: {  	v0 =	vld.idx.msk [tilespmem:v20+s2+$0x0], $0xffff;
	_ =	sdelay $0x4  }
0x78: {  	vm14 =	vge.f32 v0, v15  }
0x79: {  	v0 =	vnsel vm14, $0x0, v0  }
0x7a: {  	[tilespmem:v20+s9+$0x0] =	vst.idx.msk $0xffff, v0;
	v0 =	vsel vm14, $0x1, v18  }
0x7b: {  	[tilespmem:v20+s10+$0x0] =	vst.idx.msk $0xffff, v0  }
0x7c: {  	v0 =	vld.idx.msk [tilespmem:v63+s2+$0x0], $0xffff;
	_ =	sdelay $0x4  }
0x7d: {  	vm15 =	vge.f32 v0, v15  }
0x7e: {  	v0 =	vnsel vm15, $0x0, v0  }
0x7f: {  	[tilespmem:v63+s9+$0x0] =	vst.idx.msk $0xffff, v0;
	v0 =	vsel vm15, $0x1, v18  }
0x80: {  	[tilespmem:v63+s10+$0x0] =	vst.idx.msk $0xffff, v0  }
0x81: {  	v0 =	vld.idx.msk [tilespmem:v62+s2+$0x0], $0xffff;
	_ =	sdelay $0x4  }
0x82: {  	vm4 =	vge.f32 v0, v15  }
0x83: {  	v0 =	vnsel vm4, $0x0, v0  }
0x84: {  	[tilespmem:v62+s9+$0x0] =	vst.idx.msk $0xffff, v0;
	v0 =	vsel vm4, $0x1, v18  }
0x85: {  	[tilespmem:v62+s10+$0x0] =	vst.idx.msk $0xffff, v0  }
0x86: {  	v0 =	vld.idx.msk [tilespmem:v61+s2+$0x0], $0xffff;
	_ =	sdelay $0x4  }
0x87: {  	vm5 =	vge.f32 v0, v15  }
0x88: {  	v0 =	vnsel vm5, $0x0, v0  }
0x89: {  	[tilespmem:v61+s9+$0x0] =	vst.idx.msk $0xffff, v0;
	v0 =	vsel vm5, $0x1, v18  }
0x8a: {  	[tilespmem:v61+s10+$0x0] =	vst.idx.msk $0xffff, v0  }
0x8b: {  	v0 =	vld.idx.msk [tilespmem:v60+s2+$0x0], $0xffff;
	_ =	sdelay $0x4  }
0x8c: {  	vm6 =	vge.f32 v0, v15  }
0x8d: {  	v0 =	vnsel vm6, $0x0, v0  }
0x8e: {  	[tilespmem:v60+s9+$0x0] =	vst.idx.msk $0xffff, v0;
	v0 =	vsel vm6, $0x1, v18  }
0x8f: {  	[tilespmem:v60+s10+$0x0] =	vst.idx.msk $0xffff, v0  }
0x90: {  	v0 =	vld.idx.msk [tilespmem:v59+s2+$0x0], $0xffff;
	_ =	sdelay $0x4  }
0x91: {  	vm7 =	vge.f32 v0, v15  }
0x92: {  	v0 =	vnsel vm7, $0x0, v0  }
0x93: {  	[tilespmem:v59+s9+$0x0] =	vst.idx.msk $0xffff, v0;
	v0 =	vsel vm7, $0x1, v18  }
0x94: {  	[tilespmem:v59+s10+$0x0] =	vst.idx.msk $0xffff, v0  }
0x95: {  	v0 =	vld.idx.msk [tilespmem:v57+s2+$0x0], $0xffff;
	_ =	sdelay $0x4  }
0x96: {  	vm8 =	vge.f32 v0, v15  }
0x97: {  	v0 =	vnsel vm8, $0x0, v0  }
0x98: {  	[tilespmem:v57+s9+$0x0] =	vst.idx.msk $0xffff, v0;
	v0 =	vsel vm8, $0x1, v18  }
0x99: {  	[tilespmem:v57+s10+$0x0] =	vst.idx.msk $0xffff, v0  }
0x9a: {  	v0 =	vld.idx.msk [tilespmem:v58+s2+$0x0], $0xffff;
	_ =	sdelay $0x4  }
0x9b: {  	vm9 =	vge.f32 v0, v15  }
0x9c: {  	v0 =	vnsel vm9, $0x0, v0  }
0x9d: {  	[tilespmem:v58+s9+$0x0] =	vst.idx.msk $0xffff, v0;
	v0 =	vsel vm9, $0x1, v18  }
0x9e: {  	[tilespmem:v58+s10+$0x0] =	vst.idx.msk $0xffff, v0  }
0x9f: {  	v0 =	vld.idx.msk [tilespmem:v55+s2+$0x0], $0xffff;
	_ =	sdelay $0x4  }
0xa0: {  	vm10 =	vge.f32 v0, v15  }
0xa1: {  	v0 =	vnsel vm10, $0x0, v0  }
0xa2: {  	[tilespmem:v55+s9+$0x0] =	vst.idx.msk $0xffff, v0;
	v0 =	vsel vm10, $0x1, v18  }
0xa3: {  	[tilespmem:v55+s10+$0x0] =	vst.idx.msk $0xffff, v0  }
0xa4: {  	v0 =	vld.idx.msk [tilespmem:v56+s2+$0x0], $0xffff;
	_ =	sdelay $0x4  }
0xa5: {  	vm11 =	vge.f32 v0, v15  }
0xa6: {  	v0 =	vnsel vm11, $0x0, v0  }
0xa7: {  	[tilespmem:v56+s9+$0x0] =	vst.idx.msk $0xffff, v0;
	v0 =	vsel vm11, $0x1, v18  }
0xa8: {  	[tilespmem:v56+s10+$0x0] =	vst.idx.msk $0xffff, v0  }
0xa9: {  	v0 =	vld.idx.msk [tilespmem:v53+s2+$0x0], $0xffff;
	_ =	sdelay $0x4  }
0xaa: {  	vm12 =	vge.f32 v0, v15  }
0xab: {  	v0 =	vnsel vm12, $0x0, v0  }
0xac: {  	[tilespmem:v53+s9+$0x0] =	vst.idx.msk $0xffff, v0;
	v0 =	vsel vm12, $0x1, v18  }
0xad: {  	[tilespmem:v53+s10+$0x0] =	vst.idx.msk $0xffff, v0  }
0xae: {  	v0 =	vld.idx.msk [tilespmem:v54+s2+$0x0], $0xffff;
	_ =	sdelay $0x4  }
0xaf: {  	vm13 =	vge.f32 v0, v15  }
0xb0: {  	v0 =	vnsel vm13, $0x0, v0  }
0xb1: {  	[tilespmem:v54+s9+$0x0] =	vst.idx.msk $0xffff, v0;
	v0 =	vsel vm13, $0x1, v18  }
0xb2: {  	[tilespmem:v54+s10+$0x0] =	vst.idx.msk $0xffff, v0  }
0xb3: {  	v0 =	vld.idx.msk [tilespmem:v51+s2+$0x0], $0xffff;
	_ =	sdelay $0x4  }
0xb4: {  	vm14 =	vge.f32 v0, v15  }
0xb5: {  	v0 =	vnsel vm14, $0x0, v0  }
0xb6: {  	[tilespmem:v51+s9+$0x0] =	vst.idx.msk $0xffff, v0;
	v0 =	vsel vm14, $0x1, v18  }
0xb7: {  	[tilespmem:v51+s10+$0x0] =	vst.idx.msk $0xffff, v0  }
0xb8: {  	v0 =	vld.idx.msk [tilespmem:v52+s2+$0x0], $0xffff;
	_ =	sdelay $0x4  }
0xb9: {  	vm15 =	vge.f32 v0, v15  }
0xba: {  	v0 =	vnsel vm15, $0x0, v0  }
0xbb: {  	[tilespmem:v52+s9+$0x0] =	vst.idx.msk $0xffff, v0;
	v0 =	vsel vm15, $0x1, v18  }
0xbc: {  	[tilespmem:v52+s10+$0x0] =	vst.idx.msk $0xffff, v0  }
0xbd: {  	v0 =	vld.idx.msk [tilespmem:v49+s2+$0x0], $0xffff;
	_ =	sdelay $0x4  }
0xbe: {  	vm4 =	vge.f32 v0, v15  }
0xbf: {  	v0 =	vnsel vm4, $0x0, v0  }
0xc0: {  	[tilespmem:v49+s9+$0x0] =	vst.idx.msk $0xffff, v0;
	v0 =	vsel vm4, $0x1, v18  }
0xc1: {  	[tilespmem:v49+s10+$0x0] =	vst.idx.msk $0xffff, v0  }
0xc2: {  	v0 =	vld.idx.msk [tilespmem:v50+s2+$0x0], $0xffff;
	_ =	sdelay $0x4  }
0xc3: {  	vm5 =	vge.f32 v0, v15  }
0xc4: {  	v0 =	vnsel vm5, $0x0, v0  }
0xc5: {  	[tilespmem:v50+s9+$0x0] =	vst.idx.msk $0xffff, v0;
	v0 =	vsel vm5, $0x1, v18  }
0xc6: {  	[tilespmem:v50+s10+$0x0] =	vst.idx.msk $0xffff, v0  }
0xc7: {  	v0 =	vld.idx.msk [tilespmem:v47+s2+$0x0], $0xffff;
	_ =	sdelay $0x4  }
0xc8: {  	vm6 =	vge.f32 v0, v15  }
0xc9: {  	v0 =	vnsel vm6, $0x0, v0  }
0xca: {  	[tilespmem:v47+s9+$0x0] =	vst.idx.msk $0xffff, v0;
	v0 =	vsel vm6, $0x1, v18  }
0xcb: {  	[tilespmem:v47+s10+$0x0] =	vst.idx.msk $0xffff, v0  }
0xcc: {  	v0 =	vld.idx.msk [tilespmem:v48+s2+$0x0], $0xffff;
	_ =	sdelay $0x4  }
0xcd: {  	vm7 =	vge.f32 v0, v15  }
0xce: {  	v0 =	vnsel vm7, $0x0, v0  }
0xcf: {  	[tilespmem:v48+s9+$0x0] =	vst.idx.msk $0xffff, v0;
	v0 =	vsel vm7, $0x1, v18  }
0xd0: {  	[tilespmem:v48+s10+$0x0] =	vst.idx.msk $0xffff, v0  }
0xd1: {  	v0 =	vld.idx.msk [tilespmem:v45+s2+$0x0], $0xffff;
	_ =	sdelay $0x4  }
0xd2: {  	vm8 =	vge.f32 v0, v15  }
0xd3: {  	v0 =	vnsel vm8, $0x0, v0  }
0xd4: {  	[tilespmem:v45+s9+$0x0] =	vst.idx.msk $0xffff, v0;
	v0 =	vsel vm8, $0x1, v18  }
0xd5: {  	[tilespmem:v45+s10+$0x0] =	vst.idx.msk $0xffff, v0  }
0xd6: {  	v0 =	vld.idx.msk [tilespmem:v46+s2+$0x0], $0xffff;
	_ =	sdelay $0x4  }
0xd7: {  	vm9 =	vge.f32 v0, v15  }
0xd8: {  	v0 =	vnsel vm9, $0x0, v0  }
0xd9: {  	[tilespmem:v46+s9+$0x0] =	vst.idx.msk $0xffff, v0;
	v0 =	vsel vm9, $0x1, v18  }
0xda: {  	[tilespmem:v46+s10+$0x0] =	vst.idx.msk $0xffff, v0  }
0xdb: {  	v0 =	vld.idx.msk [tilespmem:v43+s2+$0x0], $0xffff;
	_ =	sdelay $0x4  }
0xdc: {  	vm10 =	vge.f32 v0, v15  }
0xdd: {  	v0 =	vnsel vm10, $0x0, v0  }
0xde: {  	[tilespmem:v43+s9+$0x0] =	vst.idx.msk $0xffff, v0;
	v0 =	vsel vm10, $0x1, v18  }
0xdf: {  	[tilespmem:v43+s10+$0x0] =	vst.idx.msk $0xffff, v0  }
0xe0: {  	v0 =	vld.idx.msk [tilespmem:v44+s2+$0x0], $0xffff;
	_ =	sdelay $0x4  }
0xe1: {  	vm11 =	vge.f32 v0, v15  }
0xe2: {  	v0 =	vnsel vm11, $0x0, v0  }
0xe3: {  	[tilespmem:v44+s9+$0x0] =	vst.idx.msk $0xffff, v0;
	v0 =	vsel vm11, $0x1, v18  }
0xe4: {  	[tilespmem:v44+s10+$0x0] =	vst.idx.msk $0xffff, v0  }
0xe5: {  	v0 =	vld.idx.msk [tilespmem:v41+s2+$0x0], $0xffff;
	_ =	sdelay $0x4  }
0xe6: {  	vm12 =	vge.f32 v0, v15  }
0xe7: {  	v0 =	vnsel vm12, $0x0, v0  }
0xe8: {  	[tilespmem:v41+s9+$0x0] =	vst.idx.msk $0xffff, v0;
	v0 =	vsel vm12, $0x1, v18  }
0xe9: {  	[tilespmem:v41+s10+$0x0] =	vst.idx.msk $0xffff, v0  }
0xea: {  	v0 =	vld.idx.msk [tilespmem:v42+s2+$0x0], $0xffff;
	_ =	sdelay $0x4  }
0xeb: {  	vm13 =	vge.f32 v0, v15  }
0xec: {  	v0 =	vnsel vm13, $0x0, v0  }
0xed: {  	[tilespmem:v42+s9+$0x0] =	vst.idx.msk $0xffff, v0;
	v0 =	vsel vm13, $0x1, v18  }
0xee: {  	[tilespmem:v42+s10+$0x0] =	vst.idx.msk $0xffff, v0  }
0xef: {  	v0 =	vld.idx.msk [tilespmem:v39+s2+$0x0], $0xffff;
	_ =	sdelay $0x4  }
0xf0: {  	vm14 =	vge.f32 v0, v15  }
0xf1: {  	v0 =	vnsel vm14, $0x0, v0  }
0xf2: {  	[tilespmem:v39+s9+$0x0] =	vst.idx.msk $0xffff, v0;
	v0 =	vsel vm14, $0x1, v18  }
0xf3: {  	[tilespmem:v39+s10+$0x0] =	vst.idx.msk $0xffff, v0  }
0xf4: {  	v0 =	vld.idx.msk [tilespmem:v40+s2+$0x0], $0xffff;
	_ =	sdelay $0x4  }
0xf5: {  	vm15 =	vge.f32 v0, v15  }
0xf6: {  	v0 =	vnsel vm15, $0x0, v0  }
0xf7: {  	[tilespmem:v40+s9+$0x0] =	vst.idx.msk $0xffff, v0;
	v0 =	vsel vm15, $0x1, v18  }
0xf8: {  	[tilespmem:v40+s10+$0x0] =	vst.idx.msk $0xffff, v0  }
0xf9: {  	v0 =	vld.idx.msk [tilespmem:v37+s2+$0x0], $0xffff;
	_ =	sdelay $0x4  }
0xfa: {  	vm4 =	vge.f32 v0, v15  }
0xfb: {  	v0 =	vnsel vm4, $0x0, v0  }
0xfc: {  	[tilespmem:v37+s9+$0x0] =	vst.idx.msk $0xffff, v0;
	v0 =	vsel vm4, $0x1, v18  }
0xfd: {  	[tilespmem:v37+s10+$0x0] =	vst.idx.msk $0xffff, v0  }
0xfe: {  	v0 =	vld.idx.msk [tilespmem:v38+s2+$0x0], $0xffff;
	_ =	sdelay $0x4  }
0xff: {  	vm5 =	vge.f32 v0, v15  }
0x100: {  	v0 =	vnsel vm5, $0x0, v0  }
0x101: {  	[tilespmem:v38+s9+$0x0] =	vst.idx.msk $0xffff, v0;
	v0 =	vsel vm5, $0x1, v18  }
0x102: {  	[tilespmem:v38+s10+$0x0] =	vst.idx.msk $0xffff, v0  }
0x103: {  	v0 =	vld.idx.msk [tilespmem:v35+s2+$0x0], $0xffff;
	_ =	sdelay $0x4  }
0x104: {  	vm6 =	vge.f32 v0, v15  }
0x105: {  	v0 =	vnsel vm6, $0x0, v0  }
0x106: {  	[tilespmem:v35+s9+$0x0] =	vst.idx.msk $0xffff, v0;
	v0 =	vsel vm6, $0x1, v18  }
0x107: {  	[tilespmem:v35+s10+$0x0] =	vst.idx.msk $0xffff, v0  }
0x108: {  	v0 =	vld.idx.msk [tilespmem:v36+s2+$0x0], $0xffff;
	_ =	sdelay $0x4  }
0x109: {  	vm7 =	vge.f32 v0, v15  }
0x10a: {  	v0 =	vnsel vm7, $0x0, v0  }
0x10b: {  	[tilespmem:v36+s9+$0x0] =	vst.idx.msk $0xffff, v0;
	v0 =	vsel vm7, $0x1, v18  }
0x10c: {  	[tilespmem:v36+s10+$0x0] =	vst.idx.msk $0xffff, v0  }
0x10d: {  	v0 =	vld.idx.msk [tilespmem:v33+s2+$0x0], $0xffff;
	_ =	sdelay $0x4  }
0x10e: {  	vm8 =	vge.f32 v0, v15  }
0x10f: {  	v0 =	vnsel vm8, $0x0, v0  }
0x110: {  	[tilespmem:v33+s9+$0x0] =	vst.idx.msk $0xffff, v0;
	v0 =	vsel vm8, $0x1, v18  }
0x111: {  	[tilespmem:v33+s10+$0x0] =	vst.idx.msk $0xffff, v0  }
0x112: {  	v0 =	vld.idx.msk [tilespmem:v34+s2+$0x0], $0xffff;
	_ =	sdelay $0x4  }
0x113: {  	vm9 =	vge.f32 v0, v15  }
0x114: {  	v0 =	vnsel vm9, $0x0, v0  }
0x115: {  	[tilespmem:v34+s9+$0x0] =	vst.idx.msk $0xffff, v0;
	v0 =	vsel vm9, $0x1, v18  }
0x116: {  	[tilespmem:v34+s10+$0x0] =	vst.idx.msk $0xffff, v0  }
0x117: {  	v0 =	vld.idx.msk [tilespmem:v30+s2+$0x0], $0xffff;
	_ =	sdelay $0x4  }
0x118: {  	vm10 =	vge.f32 v0, v15  }
0x119: {  	v0 =	vnsel vm10, $0x0, v0  }
0x11a: {  	[tilespmem:v30+s9+$0x0] =	vst.idx.msk $0xffff, v0;
	v0 =	vsel vm10, $0x1, v18  }
0x11b: {  	[tilespmem:v30+s10+$0x0] =	vst.idx.msk $0xffff, v0  }
0x11c: {  	v0 =	vld.idx.msk [tilespmem:v32+s2+$0x0], $0xffff;
	_ =	sdelay $0x4  }
0x11d: {  	vm11 =	vge.f32 v0, v15  }
0x11e: {  	v0 =	vnsel vm11, $0x0, v0  }
0x11f: {  	[tilespmem:v32+s9+$0x0] =	vst.idx.msk $0xffff, v0;
	v0 =	vsel vm11, $0x1, v18  }
0x120: {  	[tilespmem:v32+s10+$0x0] =	vst.idx.msk $0xffff, v0  }
0x121: {  	v0 =	vld.idx.msk [tilespmem:v28+s2+$0x0], $0xffff;
	_ =	sdelay $0x4  }
0x122: {  	vm12 =	vge.f32 v0, v15  }
0x123: {  	v0 =	vnsel vm12, $0x0, v0  }
0x124: {  	[tilespmem:v28+s9+$0x0] =	vst.idx.msk $0xffff, v0;
	v0 =	vsel vm12, $0x1, v18  }
0x125: {  	[tilespmem:v28+s10+$0x0] =	vst.idx.msk $0xffff, v0  }
0x126: {  	v0 =	vld.idx.msk [tilespmem:v29+s2+$0x0], $0xffff;
	_ =	sdelay $0x4  }
0x127: {  	vm13 =	vge.f32 v0, v15  }
0x128: {  	v0 =	vnsel vm13, $0x0, v0  }
0x129: {  	[tilespmem:v29+s9+$0x0] =	vst.idx.msk $0xffff, v0;
	v0 =	vsel vm13, $0x1, v18  }
0x12a: {  	[tilespmem:v29+s10+$0x0] =	vst.idx.msk $0xffff, v0  }
0x12b: {  	v0 =	vld.idx.msk [tilespmem:v26+s2+$0x0], $0xffff;
	_ =	sdelay $0x4  }
0x12c: {  	vm14 =	vge.f32 v0, v15  }
0x12d: {  	v0 =	vnsel vm14, $0x0, v0  }
0x12e: {  	[tilespmem:v26+s9+$0x0] =	vst.idx.msk $0xffff, v0;
	v0 =	vsel vm14, $0x1, v18  }
0x12f: {  	[tilespmem:v26+s10+$0x0] =	vst.idx.msk $0xffff, v0  }
0x130: {  	v0 =	vld.idx.msk [tilespmem:v27+s2+$0x0], $0xffff;
	_ =	sdelay $0x4  }
0x131: {  	vm15 =	vge.f32 v0, v15  }
0x132: {  	v0 =	vnsel vm15, $0x0, v0  }
0x133: {  	[tilespmem:v27+s9+$0x0] =	vst.idx.msk $0xffff, v0;
	v0 =	vsel vm15, $0x1, v18  }
0x134: {  	[tilespmem:v27+s10+$0x0] =	vst.idx.msk $0xffff, v0  }
0x135: {  	v0 =	vld.idx.msk [tilespmem:v24+s2+$0x0], $0xffff;
	_ =	sdelay $0x4  }
0x136: {  	vm4 =	vge.f32 v0, v15  }
0x137: {  	v0 =	vnsel vm4, $0x0, v0  }
0x138: {  	[tilespmem:v24+s9+$0x0] =	vst.idx.msk $0xffff, v0;
	v0 =	vsel vm4, $0x1, v18  }
0x139: {  	[tilespmem:v24+s10+$0x0] =	vst.idx.msk $0xffff, v0  }
0x13a: {  	v0 =	vld.idx.msk [tilespmem:v25+s2+$0x0], $0xffff;
	_ =	sdelay $0x4  }
0x13b: {  	vm5 =	vge.f32 v0, v15  }
0x13c: {  	v0 =	vnsel vm5, $0x0, v0  }
0x13d: {  	[tilespmem:v25+s9+$0x0] =	vst.idx.msk $0xffff, v0;
	v0 =	vsel vm5, $0x1, v18  }
0x13e: {  	[tilespmem:v25+s10+$0x0] =	vst.idx.msk $0xffff, v0  }
0x13f: {  	v0 =	vld.idx.msk [tilespmem:v22+s2+$0x0], $0xffff;
	_ =	sdelay $0x4  }
0x140: {  	vm6 =	vge.f32 v0, v15  }
0x141: {  	v0 =	vnsel vm6, $0x0, v0  }
0x142: {  	[tilespmem:v22+s9+$0x0] =	vst.idx.msk $0xffff, v0;
	v0 =	vsel vm6, $0x1, v18  }
0x143: {  	[tilespmem:v22+s10+$0x0] =	vst.idx.msk $0xffff, v0  }
0x144: {  	v0 =	vld.idx.msk [tilespmem:v23+s2+$0x0], $0xffff  }
0x145: {  	v2 =	vld [tilespmem:$0x1FF50];
	_ =	sdelay $0x3  }
0x146: {  	vm7 =	vge.f32 v0, v15  }
0x147: {  	v0 =	vnsel vm7, $0x0, v0  }
0x148: {  	[tilespmem:v23+s9+$0x0] =	vst.idx.msk $0xffff, v0;
	v0 =	vsel vm7, $0x1, v18  }
0x149: {  	[tilespmem:v23+s10+$0x0] =	vst.idx.msk $0xffff, v0  }
0x14a: {  	v0 =	vld.idx.msk [tilespmem:v2+s2+$0x0], $0xffff;
	_ =	sdelay $0x4  }
0x14b: {  	vm8 =	vge.f32 v0, v15  }
0x14c: {  	v0 =	vnsel vm8, $0x0, v0  }
0x14d: {  	[tilespmem:v2+s9+$0x0] =	vst.idx.msk $0xffff, v0;
	v0 =	vsel vm8, $0x1, v18  }
0x14e: {  	[tilespmem:v2+s10+$0x0] =	vst.idx.msk $0xffff, v0  }
0x14f: {  	v0 =	vld.idx.msk [tilespmem:v21+s2+$0x0], $0xffff  }
0x150: {  	v2 =	vld [tilespmem:$0x1FF60];
	_ =	sdelay $0x3  }
0x151: {  	vm9 =	vge.f32 v0, v15  }
0x152: {  	v0 =	vnsel vm9, $0x0, v0  }
0x153: {  	[tilespmem:v21+s9+$0x0] =	vst.idx.msk $0xffff, v0;
	v0 =	vsel vm9, $0x1, v18  }
0x154: {  	[tilespmem:v21+s10+$0x0] =	vst.idx.msk $0xffff, v0  }
0x155: {  	v0 =	vld.idx.msk [tilespmem:v2+s2+$0x0], $0xffff;
	_ =	sdelay $0x4  }
0x156: {  	vm10 =	vge.f32 v0, v15  }
0x157: {  	v0 =	vnsel vm10, $0x0, v0  }
0x158: {  	[tilespmem:v2+s9+$0x0] =	vst.idx.msk $0xffff, v0;
	v0 =	vsel vm10, $0x1, v18  }
0x159: {  	[tilespmem:v2+s10+$0x0] =	vst.idx.msk $0xffff, v0;
	v2 =	vld [tilespmem:$0x1FF70];
	_ =	sdelay $0x7  }
0x15a: {  	v0 =	vld.idx.msk [tilespmem:v2+s2+$0x0], $0xffff;
	_ =	sdelay $0x4  }
0x15b: {  	vm11 =	vge.f32 v0, v15  }
0x15c: {  	v0 =	vnsel vm11, $0x0, v0  }
0x15d: {  	[tilespmem:v2+s9+$0x0] =	vst.idx.msk $0xffff, v0;
	v0 =	vsel vm11, $0x1, v18  }
0x15e: {  	[tilespmem:v2+s10+$0x0] =	vst.idx.msk $0xffff, v0;
	v2 =	vld [tilespmem:$0x1FF80];
	_ =	sdelay $0x7  }
0x15f: {  	v0 =	vld.idx.msk [tilespmem:v2+s2+$0x0], $0xffff;
	_ =	sdelay $0x4  }
0x160: {  	vm12 =	vge.f32 v0, v15  }
0x161: {  	v0 =	vnsel vm12, $0x0, v0  }
0x162: {  	[tilespmem:v2+s9+$0x0] =	vst.idx.msk $0xffff, v0;
	v0 =	vsel vm12, $0x1, v18  }
0x163: {  	[tilespmem:v2+s10+$0x0] =	vst.idx.msk $0xffff, v0;
	v2 =	vld [tilespmem:$0x1FF90];
	_ =	sdelay $0x7  }
0x164: {  	v0 =	vld.idx.msk [tilespmem:v2+s2+$0x0], $0xffff;
	_ =	sdelay $0x4  }
0x165: {  	vm13 =	vge.f32 v0, v15  }
0x166: {  	v0 =	vnsel vm13, $0x0, v0  }
0x167: {  	[tilespmem:v2+s9+$0x0] =	vst.idx.msk $0xffff, v0;
	v0 =	vsel vm13, $0x1, v18  }
0x168: {  	[tilespmem:v2+s10+$0x0] =	vst.idx.msk $0xffff, v0;
	v2 =	vld [tilespmem:$0x1FFA0];
	_ =	sdelay $0x7  }
0x169: {  	v0 =	vld.idx.msk [tilespmem:v2+s2+$0x0], $0xffff;
	_ =	sdelay $0x4  }
0x16a: {  	vm14 =	vge.f32 v0, v15  }
0x16b: {  	v0 =	vnsel vm14, $0x0, v0  }
0x16c: {  	[tilespmem:v2+s9+$0x0] =	vst.idx.msk $0xffff, v0;
	v0 =	vsel vm14, $0x1, v18  }
0x16d: {  	[tilespmem:v2+s10+$0x0] =	vst.idx.msk $0xffff, v0;
	v2 =	vld [tilespmem:$0x1FFB0];
	_ =	sdelay $0x7  }
0x16e: {  	v0 =	vld.idx.msk [tilespmem:v2+s2+$0x0], $0xffff;
	_ =	sdelay $0x4  }
0x16f: {  	vm15 =	vge.f32 v0, v15  }
0x170: {  	v0 =	vnsel vm15, $0x0, v0  }
0x171: {  	[tilespmem:v2+s9+$0x0] =	vst.idx.msk $0xffff, v0;
	v0 =	vsel vm15, $0x1, v18  }
0x172: {  	[tilespmem:v2+s10+$0x0] =	vst.idx.msk $0xffff, v0;
	v2 =	vld [tilespmem:$0x1FFC0];
	_ =	sdelay $0x7  }
0x173: {  	v0 =	vld.idx.msk [tilespmem:v2+s2+$0x0], $0xffff;
	_ =	sdelay $0x4  }
0x174: {  	vm4 =	vge.f32 v0, v15  }
0x175: {  	v0 =	vnsel vm4, $0x0, v0  }
0x176: {  	[tilespmem:v2+s9+$0x0] =	vst.idx.msk $0xffff, v0;
	v0 =	vsel vm4, $0x1, v18  }
0x177: {  	[tilespmem:v2+s10+$0x0] =	vst.idx.msk $0xffff, v0  }
0x178: {  	v0 =	vld.idx.msk [tilespmem:v11+s2+$0x0], $0xffff  }
0x179: {  	v2 =	vld [tilespmem:$0x1FFD0];
	_ =	sdelay $0x3  }
0x17a: {  	vm5 =	vge.f32 v0, v15  }
0x17b: {  	v0 =	vnsel vm5, $0x0, v0  }
0x17c: {  	[tilespmem:v11+s9+$0x0] =	vst.idx.msk $0xffff, v0;
	v0 =	vsel vm5, $0x1, v18  }
0x17d: {  	[tilespmem:v11+s10+$0x0] =	vst.idx.msk $0xffff, v0  }
0x17e: {  	v0 =	vld.idx.msk [tilespmem:v2+s2+$0x0], $0xffff;
	_ =	sdelay $0x4  }
0x17f: {  	vm6 =	vge.f32 v0, v15  }
0x180: {  	v0 =	vnsel vm6, $0x0, v0  }
0x181: {  	[tilespmem:v2+s9+$0x0] =	vst.idx.msk $0xffff, v0;
	v0 =	vsel vm6, $0x1, v18  }
0x182: {  	[tilespmem:v2+s10+$0x0] =	vst.idx.msk $0xffff, v0;
	v2 =	vld [tilespmem:$0x1FFE0];
	_ =	sdelay $0x7  }
0x183: {  	v0 =	vld.idx.msk [tilespmem:v2+s2+$0x0], $0xffff;
	_ =	sdelay $0x4  }
0x184: {  	vm7 =	vge.f32 v0, v15  }
0x185: {  	v0 =	vnsel vm7, $0x0, v0  }
0x186: {  	[tilespmem:v2+s9+$0x0] =	vst.idx.msk $0xffff, v0;
	v0 =	vsel vm7, $0x1, v18  }
0x187: {  	[tilespmem:v2+s10+$0x0] =	vst.idx.msk $0xffff, v0  }
0x188: {  	v0 =	vld.idx.msk [tilespmem:v9+s2+$0x0], $0xffff;
	_ =	sdelay $0x4  }
0x189: {  	vm8 =	vge.f32 v0, v15  }
0x18a: {  	v0 =	vnsel vm8, $0x0, v0  }
0x18b: {  	[tilespmem:v9+s9+$0x0] =	vst.idx.msk $0xffff, v0;
	v0 =	vsel vm8, $0x1, v18  }
0x18c: {  	[tilespmem:v9+s10+$0x0] =	vst.idx.msk $0xffff, v0  }
0x18d: {  	v0 =	vld.idx.msk [tilespmem:v8+s2+$0x0], $0xffff  }
0x18e: {  	v2 =	vld [tilespmem:$0x1FFF0];
	_ =	sdelay $0x3  }
0x18f: {  	vm9 =	vge.f32 v0, v15  }
0x190: {  	v0 =	vnsel vm9, $0x0, v0  }
0x191: {  	[tilespmem:v8+s9+$0x0] =	vst.idx.msk $0xffff, v0;
	v0 =	vsel vm9, $0x1, v18  }
0x192: {  	[tilespmem:v8+s10+$0x0] =	vst.idx.msk $0xffff, v0  }
0x193: {  	v0 =	vld.idx.msk [tilespmem:v2+s2+$0x0], $0xffff;
	_ =	sdelay $0x4  }
0x194: {  	vm10 =	vge.f32 v0, v15  }
0x195: {  	v0 =	vnsel vm10, $0x0, v0  }
0x196: {  	[tilespmem:v2+s9+$0x0] =	vst.idx.msk $0xffff, v0;
	v0 =	vsel vm10, $0x1, v18  }
0x197: {  	[tilespmem:v2+s10+$0x0] =	vst.idx.msk $0xffff, v0  }
0x198: {  	v0 =	vld.idx.msk [tilespmem:v7+s2+$0x0], $0xffff;
	_ =	sdelay $0x4  }
0x199: {  	vm11 =	vge.f32 v0, v15  }
0x19a: {  	v0 =	vnsel vm11, $0x0, v0  }
0x19b: {  	[tilespmem:v7+s9+$0x0] =	vst.idx.msk $0xffff, v0;
	v0 =	vsel vm11, $0x1, v18  }
0x19c: {  	[tilespmem:v7+s10+$0x0] =	vst.idx.msk $0xffff, v0  }
0x19d: {  	v0 =	vld.idx.msk [tilespmem:v6+s2+$0x0], $0xffff;
	_ =	sdelay $0x4  }
0x19e: {  	vm12 =	vge.f32 v0, v15  }
0x19f: {  	v0 =	vnsel vm12, $0x0, v0  }
0x1a0: {  	[tilespmem:v6+s9+$0x0] =	vst.idx.msk $0xffff, v0;
	v0 =	vsel vm12, $0x1, v18  }
0x1a1: {  	[tilespmem:v6+s10+$0x0] =	vst.idx.msk $0xffff, v0  }
0x1a2: {  	v0 =	vld.idx.msk [tilespmem:v5+s2+$0x0], $0xffff;
	_ =	sdelay $0x4  }
0x1a3: {  	vm13 =	vge.f32 v0, v15  }
0x1a4: {  	v0 =	vnsel vm13, $0x0, v0  }
0x1a5: {  	[tilespmem:v5+s9+$0x0] =	vst.idx.msk $0xffff, v0;
	v0 =	vsel vm13, $0x1, v18  }
0x1a6: {  	[tilespmem:v5+s10+$0x0] =	vst.idx.msk $0xffff, v0  }
0x1a7: {  	v0 =	vld.idx.msk [tilespmem:v4+s2+$0x0], $0xffff;
	_ =	sdelay $0x4  }
0x1a8: {  	vm14 =	vge.f32 v0, v15  }
0x1a9: {  	v0 =	vnsel vm14, $0x0, v0  }
0x1aa: {  	[tilespmem:v4+s9+$0x0] =	vst.idx.msk $0xffff, v0;
	v0 =	vsel vm14, $0x1, v18  }
0x1ab: {  	[tilespmem:v4+s10+$0x0] =	vst.idx.msk $0xffff, v0  }
0x1ac: {  	v0 =	vld.idx.msk [tilespmem:v3+s2+$0x0], $0xffff;
	_ =	sdelay $0x2  }
0x1ad: {  	p0 =	sne.s32 s14, $0xF0  }
.Ltmp0:
0x1ae: {  	_ = 	snop;
	(pc) =	sbr.rel @p0 .LBB2_3-.Ltmp0, $4  }
0x1af: {  	vm15 =	vge.f32 v0, v15  }
0x1b0: {  	v0 =	vnsel vm15, $0x0, v0  }
0x1b1: {  	[tilespmem:v3+s9+$0x0] =	vst.idx.msk $0xffff, v0;
	v0 =	vsel vm15, $0x1, v18  }
0x1b2: {  	s14 =	sadd.s32 $0x10, s14;
	v1 =	vmov v10;
	[tilespmem:v3+s10+$0x0] =	vst.idx.msk $0xffff, v0  }
0x1b3: {  	s14 =	sadd.s32 s4, s13  }
0x1b4: {  	[hbm4b:s14+s2] =	stream.linear.scatter [tilespmem:s9], [sflag:$0x1], $0x4000, $0x38;
	[tilespmem:$0xC000] =	vst v63  }
0x1b5: {  	s12 =	sadd.s32 $0x1, s12;
	_ =	swait.ge [sflag:s8], $0x4000  }
0x1b6: {  	p0 =	sne.s32 s12, $0x4;
	[sflag:s8] =	ssyncset.done $0x0  }
.Ltmp1:
0x1b7: {  	s31 =	sadd.s32 s5, s13;
	[sflag:s8] =	ssyncadd.s32 $0xFFFFC000;
	(pc) =	sbr.rel @p0 .LBB2_2-.Ltmp1, $4  }
0x1b8: {  	[hbm4b:s31+s2] =	stream.linear.scatter [tilespmem:s10], [sflag:$0x1], $0x4000, $0x38;
	[tilespmem:$0xC000] =	vst v63  }
0x1b9: {  	_ =	swait.ge [sflag:s8], $0x4000  }
0x1ba: {  	[sflag:s8] =	ssyncset.done $0x0  }
0x1bb: {  	[sflag:s8] =	ssyncadd.s32 $0xFFFFC000  }
0x1bc: {  	s11 =	sadd.s32 $0x1, s11  }
0x1bd: {  	p0 =	sne.s32 s11, s7  }
.Ltmp2:
0x1be: {  	_ = 	snop;
	(pc) =	sbr.rel @p0 .LBB2_1-.Ltmp2, $1  }
0x1bf: {  	_ =	sdelay $0x3  }
0x1c0: {  	_ =	sfence.sel $0x180000  }
0x1c1: {  	[bflag:$0x0] =	sbarrier.arrive $0xFFFF  }
0x1c2: {  	p0 =	sne.s32 s3, $0x0;
	_ =	strace $0x90000047  }
0x1c3: {  	s0 =	sadd.s32 @!p0 $0x100000, s0;
	[bflag:$0x2] =	sbarrier.arrive $0xFFFF  }
0x1c4: {  	[sflag:s0] =	ssyncadd.tile.s32 @!p0 $0x1;
	_ =	shalt  }
.Lfunc_end2:
_tile_overlayer_lowered:
.L_overlay_start_2:
0x1c5: {  	(tag) =	ssettag $0x2  }
0x1c6: {  	s0 =	rddreg [dreg:$0x0];
	s2 =	stileid.u32  }
0x1c7: {  	s1 =	rddreg [dreg:$0x1];
	p0 =	sne.s32 s2, $0x0  }
0x1c8: {  	s3 =	rddreg [dreg:$0x2];
	[bflag:$0x3] =	sbarrier.arrive $0xFFFF;
	s2 =	simm.s32 @!p0 $0x1C01  }
0x1c9: {  	[timem:s3], [sflag:s2] =	dma.local @!p0 [hbm:s0], s1  }
0x1ca: {  	s0 =	simm.s32 @!p0 $0x1  }
0x1cb: {  	_ =	swait.ge @!p0 [sflag:s0], s1  }
0x1cc: {  	s1 =	ssub.s32 @!p0 $0x0, s1;
	[sflag:s0] =	ssyncset.done @!p0 $0x0  }
0x1cd: {  	[sflag:s0] =	ssyncadd.s32 @!p0 s1  }
0x1ce: {  	[bflag:$0x3] =	sbarrier.arrive $0xFFFF  }
0x1cf: {  	_ =	shalt  }

</sc_bundles>
